<compile_context>
chip_gen: v7x
topology: tpu7x:2x2x1
jax: 0.10.2.dev20260603
libtpu: 0.0.44.dev20260713+nightly
codegen_flags: <defaults>
</compile_context>

<pallas_src>
import functools

import jax
import jax.numpy as jnp
from jax import lax
from jax.experimental import pallas as pl
from jax.experimental.pallas import tpu as pltpu
from jax.experimental.pallas import tpu_sc as plsc

NUM_ROWS = 5
EMB = 64
BATCH = 16384
SEQ = 200
FUSE = 4
FEMB = FUSE * EMB
PTOTAL = BATCH * SEQ // FUSE
NW = 32
PER_W = PTOTAL // NW
NSLOT = 2
CHUNK = 128
STEPS = PER_W // CHUNK
IDROWS = PTOTAL // CHUNK


def _sc_embed(idx_hbm, table_hbm, out_hbm, *refs):
    idx_vs = refs[0:NSLOT]
    rows_vs = refs[NSLOT:2 * NSLOT]
    g_sems = refs[2 * NSLOT:3 * NSLOT]
    o_sems = refs[3 * NSLOT:4 * NSLOT]

    wid = lax.axis_index("c") * 16 + lax.axis_index("s")
    base = wid * PER_W

    base_row = wid * STEPS

    def prep(j, b):
        pltpu.sync_copy(idx_hbm.at[base_row + j], idx_vs[b])
        pltpu.async_copy(table_hbm.at[idx_vs[b]], rows_vs[b], g_sems[b])

    def wait_write(b):
        pltpu.make_async_copy(rows_vs[b],
                              out_hbm.at[pl.ds(base, CHUNK)],
                              o_sems[b]).wait()

    for b in range(NSLOT - 1):
        prep(b, b)

    def body(g, carry):
        for b in range(NSLOT):
            j = NSLOT * g + b
            fb = (b - 1) % NSLOT
            fire_ok = j + NSLOT - 1 < STEPS
            pl.when(jnp.logical_and(j >= 1, fire_ok))(
                lambda fb=fb: wait_write(fb))
            pl.when(fire_ok)(lambda j=j, fb=fb: prep(j + NSLOT - 1, fb))
            pltpu.make_async_copy(table_hbm.at[idx_vs[b]],
                                  rows_vs[b], g_sems[b]).wait()
            pltpu.async_copy(rows_vs[b],
                             out_hbm.at[pl.ds(base + j * CHUNK, CHUNK)],
                             o_sems[b])
        return carry

    lax.fori_loop(0, STEPS // NSLOT, body, 0)
    for b in range(NSLOT):
        wait_write(b)


_sc_call = functools.partial(
    pl.kernel,
    out_type=jax.ShapeDtypeStruct((PTOTAL, FEMB), jnp.float32),
    mesh=plsc.VectorSubcoreMesh(core_axis_name="c", subcore_axis_name="s"),
    scratch_types=(
        [pltpu.VMEM((CHUNK,), jnp.int32) for _ in range(NSLOT)]
        + [pltpu.VMEM((CHUNK, FEMB), jnp.float32) for _ in range(NSLOT)]
        + [pltpu.SemaphoreType.DMA for _ in range(2 * NSLOT)]
    ),
)(_sc_embed)


@jax.jit
def kernel(inputs, table):
    flat = inputs.reshape(PTOTAL, FUSE)
    fidx = flat[:, 0]
    for k in range(1, FUSE):
        fidx = fidx * NUM_ROWS + flat[:, k]
    fidx = fidx.reshape(IDROWS, CHUNK)
    parts = [
        jnp.tile(jnp.repeat(table, NUM_ROWS ** (FUSE - 1 - k), axis=0),
                 (NUM_ROWS ** k, 1))
        for k in range(FUSE)
    ]
    ftab = jnp.concatenate(parts, axis=1)
    out = _sc_call(fidx, ftab)
    return out.reshape(BATCH, SEQ, EMB)

# --- scband reference (transcript-rebuilt; emitter-appended) ---
"""Pipeline reference for scband-cigar-embedding-layer-78847009620240 (READ-ONLY COPY).

The authoritative reference and input builder live on the scoring server;
editing this copy changes nothing except your own understanding.
"""

import jax, jax.numpy as jnp
import numpy as np

EMBEDDING_DIM = 64
NUM_CIGAR_OPS = 5
PADDING_IDX = 4  # padding_idx=-1 in torch resolves to num_embeddings-1 = 4

def setup_inputs(seed: int = 0) -> dict:
    key = jax.random.key(seed)
    k_idx, k_tab = jax.random.split(key)
    inputs = jax.random.randint(k_idx, (16384, 200), 0, NUM_CIGAR_OPS, dtype=jnp.int64)
    table = jax.random.normal(k_tab, (NUM_CIGAR_OPS, EMBEDDING_DIM), dtype=jnp.float32)
    # torch nn.Embedding initializes the padding row to zeros
    table = table.at[PADDING_IDX].set(0.0)
    return {"inputs": inputs, "table": table}

def reference(inputs, table):
    # nn.Embedding forward: gather rows of the table by index
    embeddings = jnp.take(table, inputs, axis=0)
    return embeddings

if __name__ == "__main__":
    import jax
    _d = setup_inputs()
    print(jax.jit(kernel)(*tuple(_d.values())))

</pallas_src>

<mosaic_0001>
#map = affine_map<(d0, d1) -> (0, 0)>
module attributes {stable_mosaic.version = 14 : i64} {
  func.func @_sc_embed(%arg0: i32, %arg1: i32, %arg2: memref<6400x128xi32, #tpu.memory_space<hbm>>, %arg3: memref<625x256xf32, #tpu.memory_space<hbm>>, %arg4: memref<819200x256xf32, #tpu.memory_space<hbm>>, %arg5: memref<128xi32, #tpu.memory_space<vmem>>, %arg6: memref<128xi32, #tpu.memory_space<vmem>>, %arg7: memref<128x256xf32, #tpu.memory_space<vmem>>, %arg8: memref<128x256xf32, #tpu.memory_space<vmem>>, %arg9: memref<!tpu.dma_semaphore, #tpu.memory_space<semaphore_mem>>, %arg10: memref<!tpu.dma_semaphore, #tpu.memory_space<semaphore_mem>>, %arg11: memref<!tpu.dma_semaphore, #tpu.memory_space<semaphore_mem>>, %arg12: memref<!tpu.dma_semaphore, #tpu.memory_space<semaphore_mem>>) attributes {dimension_semantics = [#tpu.dimension_semantics<core_parallel>, #tpu.dimension_semantics<subcore_parallel>], iteration_bounds = array<i64: 2, 16>, scalar_prefetch = 0 : i64, scratch_operands = 8 : i64, tpu.core_type = #tpu.core_type<sc_vector_subcore>, window_params = [{transform_indices = #map}, {transform_indices = #map}, {transform_indices = #map}]} {
    %mul3A = arith.constant 16 : i32
    %mul3A_0 = arith.muli %arg0, %mul3A : i32
    %add3A = arith.addi %mul3A_0, %arg1 : i32
    %mul3A_1 = arith.constant 25600 : i32
    %mul3A_2 = arith.muli %add3A, %mul3A_1 : i32
    %mul3A_3 = arith.constant 200 : i32
    %mul3A_4 = arith.muli %add3A, %mul3A_3 : i32
    %add3A_5 = arith.constant 0 : i32
    %add3A_6 = arith.addi %mul3A_4, %add3A_5 : i32
    "tpu.region"() ({
      %run_scoped3A = tpu.sem_alloc : memref<!tpu.dma_semaphore, #tpu.memory_space<semaphore_mem>>
      %dma_start3A_21 = arith.constant 0 : i32
      %dma_start3A_22 = tpu.memref_slice %arg2[%add3A_6, %dma_start3A_21] : memref<6400x128xi32, #tpu.memory_space<hbm>> -> memref<1x128xi32, #tpu.memory_space<hbm>>
      %dma_start3A_23 = tpu.memref_squeeze %dma_start3A_22 : memref<1x128xi32, #tpu.memory_space<hbm>> -> memref<128xi32, #tpu.memory_space<hbm>>
      %dma_start3A_24 = arith.constant 0 : i32
      %dma_start3A_25 = tpu.memref_slice %arg2[%add3A_6, %dma_start3A_24] : memref<6400x128xi32, #tpu.memory_space<hbm>> -> memref<1x128xi32, #tpu.memory_space<hbm>>
      %dma_start3A_26 = tpu.memref_squeeze %dma_start3A_25 : memref<1x128xi32, #tpu.memory_space<hbm>> -> memref<128xi32, #tpu.memory_space<hbm>>
      tpu.enqueue_dma source(%dma_start3A_26 : memref<128xi32, #tpu.memory_space<hbm>>) target(%arg5 : memref<128xi32, #tpu.memory_space<vmem>>) target_semaphore(%run_scoped3A : memref<!tpu.dma_semaphore, #tpu.memory_space<semaphore_mem>>)
      %dma_wait3A_27 = arith.constant 0 : i32
      %dma_wait3A_28 = tpu.memref_slice %arg2[%add3A_6, %dma_wait3A_27] : memref<6400x128xi32, #tpu.memory_space<hbm>> -> memref<1x128xi32, #tpu.memory_space<hbm>>
      %dma_wait3A_29 = tpu.memref_squeeze %dma_wait3A_28 : memref<1x128xi32, #tpu.memory_space<hbm>> -> memref<128xi32, #tpu.memory_space<hbm>>
      %dma_wait3A_30 = arith.constant 0 : i32
      %dma_wait3A_31 = tpu.memref_slice %arg2[%add3A_6, %dma_wait3A_30] : memref<6400x128xi32, #tpu.memory_space<hbm>> -> memref<1x128xi32, #tpu.memory_space<hbm>>
      %dma_wait3A_32 = tpu.memref_squeeze %dma_wait3A_31 : memref<1x128xi32, #tpu.memory_space<hbm>> -> memref<128xi32, #tpu.memory_space<hbm>>
      tpu.wait_dma2 semaphore(%run_scoped3A : memref<!tpu.dma_semaphore, #tpu.memory_space<semaphore_mem>>) src(%dma_wait3A_32 : memref<128xi32, #tpu.memory_space<hbm>>) dst(%arg5 : memref<128xi32, #tpu.memory_space<vmem>>)
      tpu.yield
    }) : () -> ()
    %dma_start3A = arith.constant 0 : i32
    %dma_start3A_7 = arith.constant 0 : i32
    %dma_start3A_8 = tpu.memref_slice %arg3[%dma_start3A, %dma_start3A_7] : memref<625x256xf32, #tpu.memory_space<hbm>> -> memref<625x256xf32, #tpu.memory_space<hbm>>
    tpu.enqueue_indirect_dma source(%dma_start3A_8 : memref<625x256xf32, #tpu.memory_space<hbm>>) target(%arg7 : memref<128x256xf32, #tpu.memory_space<vmem>>) offsets(%arg5 : memref<128xi32, #tpu.memory_space<vmem>>) semaphore(%arg9 : memref<!tpu.dma_semaphore, #tpu.memory_space<semaphore_mem>>)
    %scan3A = arith.constant 0 : i32
    %scan3A_9 = arith.constant 0 : i32
    %scan3A_10 = arith.constant 100 : i32
    %scan3A_11 = arith.addi %scan3A_9, %scan3A_10 : i32
    %scan3A_12 = arith.constant 1 : i32
    scf.for %scan3A_21 = %scan3A_9 to %scan3A_11 step %scan3A_12  : i32 {
      %mul3A_22 = arith.constant 2 : i32
      %mul3A_23 = arith.muli %mul3A_22, %scan3A_21 : i32
      %add3A_24 = arith.constant 0 : i32
      %add3A_25 = arith.addi %mul3A_23, %add3A_24 : i32
      %add3A_26 = arith.constant 2 : i32
      %add3A_27 = arith.addi %add3A_25, %add3A_26 : i32
      %sub3A = arith.constant 1 : i32
      %sub3A_28 = arith.subi %add3A_27, %sub3A : i32
      %lt3A = arith.constant 200 : i32
      %lt3A_29 = arith.cmpi slt, %sub3A_28, %lt3A : i32
      %ge3A = arith.constant 1 : i32
      %ge3A_30 = arith.cmpi sge, %add3A_25, %ge3A : i32
      %and3A = arith.andi %ge3A_30, %lt3A_29 : i1
      %convert_element_type3A = arith.extui %and3A : i1 to i32
      %cond3A = arith.constant 0 : i32
      %cond3A_31 = arith.cmpi ne, %convert_element_type3A, %cond3A : i32
      scf.if %cond3A_31 {
        %dma_wait3A_74 = arith.constant 0 : i32
        %dma_wait3A_75 = tpu.memref_slice %arg4[%mul3A_2, %dma_wait3A_74] : memref<819200x256xf32, #tpu.memory_space<hbm>> -> memref<128x256xf32, #tpu.memory_space<hbm>>
        %dma_wait3A_76 = arith.constant 0 : i32
        %dma_wait3A_77 = tpu.memref_slice %arg4[%mul3A_2, %dma_wait3A_76] : memref<819200x256xf32, #tpu.memory_space<hbm>> -> memref<128x256xf32, #tpu.memory_space<hbm>>
        tpu.wait_dma2 semaphore(%arg12 : memref<!tpu.dma_semaphore, #tpu.memory_space<semaphore_mem>>) src(%arg8 : memref<128x256xf32, #tpu.memory_space<vmem>>) dst(%dma_wait3A_77 : memref<128x256xf32, #tpu.memory_space<hbm>>)
      } else {
      }
      %convert_element_type3A_32 = arith.extui %lt3A_29 : i1 to i32
      %cond3A_33 = arith.constant 0 : i32
      %cond3A_34 = arith.cmpi ne, %convert_element_type3A_32, %cond3A_33 : i32
      scf.if %cond3A_34 {
        %add3A_74 = arith.constant 2 : i32
        %add3A_75 = arith.addi %add3A_25, %add3A_74 : i32
        %sub3A_76 = arith.constant 1 : i32
        %sub3A_77 = arith.subi %add3A_75, %sub3A_76 : i32
        %add3A_78 = arith.addi %mul3A_4, %sub3A_77 : i32
        "tpu.region"() ({
          %run_scoped3A = tpu.sem_alloc : memref<!tpu.dma_semaphore, #tpu.memory_space<semaphore_mem>>
          %dma_start3A_82 = arith.constant 0 : i32
          %dma_start3A_83 = tpu.memref_slice %arg2[%add3A_78, %dma_start3A_82] : memref<6400x128xi32, #tpu.memory_space<hbm>> -> memref<1x128xi32, #tpu.memory_space<hbm>>
          %dma_start3A_84 = tpu.memref_squeeze %dma_start3A_83 : memref<1x128xi32, #tpu.memory_space<hbm>> -> memref<128xi32, #tpu.memory_space<hbm>>
          %dma_start3A_85 = arith.constant 0 : i32
          %dma_start3A_86 = tpu.memref_slice %arg2[%add3A_78, %dma_start3A_85] : memref<6400x128xi32, #tpu.memory_space<hbm>> -> memref<1x128xi32, #tpu.memory_space<hbm>>
          %dma_start3A_87 = tpu.memref_squeeze %dma_start3A_86 : memref<1x128xi32, #tpu.memory_space<hbm>> -> memref<128xi32, #tpu.memory_space<hbm>>
          tpu.enqueue_dma source(%dma_start3A_87 : memref<128xi32, #tpu.memory_space<hbm>>) target(%arg6 : memref<128xi32, #tpu.memory_space<vmem>>) target_semaphore(%run_scoped3A : memref<!tpu.dma_semaphore, #tpu.memory_space<semaphore_mem>>)
          %dma_wait3A_88 = arith.constant 0 : i32
          %dma_wait3A_89 = tpu.memref_slice %arg2[%add3A_78, %dma_wait3A_88] : memref<6400x128xi32, #tpu.memory_space<hbm>> -> memref<1x128xi32, #tpu.memory_space<hbm>>
          %dma_wait3A_90 = tpu.memref_squeeze %dma_wait3A_89 : memref<1x128xi32, #tpu.memory_space<hbm>> -> memref<128xi32, #tpu.memory_space<hbm>>
          %dma_wait3A_91 = arith.constant 0 : i32
          %dma_wait3A_92 = tpu.memref_slice %arg2[%add3A_78, %dma_wait3A_91] : memref<6400x128xi32, #tpu.memory_space<hbm>> -> memref<1x128xi32, #tpu.memory_space<hbm>>
          %dma_wait3A_93 = tpu.memref_squeeze %dma_wait3A_92 : memref<1x128xi32, #tpu.memory_space<hbm>> -> memref<128xi32, #tpu.memory_space<hbm>>
          tpu.wait_dma2 semaphore(%run_scoped3A : memref<!tpu.dma_semaphore, #tpu.memory_space<semaphore_mem>>) src(%dma_wait3A_93 : memref<128xi32, #tpu.memory_space<hbm>>) dst(%arg6 : memref<128xi32, #tpu.memory_space<vmem>>)
          tpu.yield
        }) : () -> ()
        %dma_start3A_79 = arith.constant 0 : i32
        %dma_start3A_80 = arith.constant 0 : i32
        %dma_start3A_81 = tpu.memref_slice %arg3[%dma_start3A_79, %dma_start3A_80] : memref<625x256xf32, #tpu.memory_space<hbm>> -> memref<625x256xf32, #tpu.memory_space<hbm>>
        tpu.enqueue_indirect_dma source(%dma_start3A_81 : memref<625x256xf32, #tpu.memory_space<hbm>>) target(%arg8 : memref<128x256xf32, #tpu.memory_space<vmem>>) offsets(%arg6 : memref<128xi32, #tpu.memory_space<vmem>>) semaphore(%arg10 : memref<!tpu.dma_semaphore, #tpu.memory_space<semaphore_mem>>)
      } else {
      }
      %dma_wait3A_35 = arith.constant 0 : i32
      %dma_wait3A_36 = arith.constant 0 : i32
      %dma_wait3A_37 = tpu.memref_slice %arg3[%dma_wait3A_35, %dma_wait3A_36] : memref<625x256xf32, #tpu.memory_space<hbm>> -> memref<625x256xf32, #tpu.memory_space<hbm>>
      tpu.wait_indirect_dma semaphore(%arg9 : memref<!tpu.dma_semaphore, #tpu.memory_space<semaphore_mem>>) src(%dma_wait3A_37 : memref<625x256xf32, #tpu.memory_space<hbm>>) dst(%arg7 : memref<128x256xf32, #tpu.memory_space<vmem>>)
      %mul3A_38 = arith.constant 128 : i32
      %mul3A_39 = arith.muli %add3A_25, %mul3A_38 : i32
      %add3A_40 = arith.addi %mul3A_2, %mul3A_39 : i32
      %dma_start3A_41 = arith.constant 0 : i32
      %dma_start3A_42 = tpu.memref_slice %arg4[%add3A_40, %dma_start3A_41] : memref<819200x256xf32, #tpu.memory_space<hbm>> -> memref<128x256xf32, #tpu.memory_space<hbm>>
      %dma_start3A_43 = arith.constant 0 : i32
      %dma_start3A_44 = tpu.memref_slice %arg4[%add3A_40, %dma_start3A_43] : memref<819200x256xf32, #tpu.memory_space<hbm>> -> memref<128x256xf32, #tpu.memory_space<hbm>>
      tpu.enqueue_dma source(%arg7 : memref<128x256xf32, #tpu.memory_space<vmem>>) target(%dma_start3A_44 : memref<128x256xf32, #tpu.memory_space<hbm>>) target_semaphore(%arg11 : memref<!tpu.dma_semaphore, #tpu.memory_space<semaphore_mem>>)
      %mul3A_45 = arith.constant 2 : i32
      %mul3A_46 = arith.muli %mul3A_45, %scan3A_21 : i32
      %add3A_47 = arith.constant 1 : i32
      %add3A_48 = arith.addi %mul3A_46, %add3A_47 : i32
      %add3A_49 = arith.constant 2 : i32
      %add3A_50 = arith.addi %add3A_48, %add3A_49 : i32
      %sub3A_51 = arith.constant 1 : i32
      %sub3A_52 = arith.subi %add3A_50, %sub3A_51 : i32
      %lt3A_53 = arith.constant 200 : i32
      %lt3A_54 = arith.cmpi slt, %sub3A_52, %lt3A_53 : i32
      %ge3A_55 = arith.constant 1 : i32
      %ge3A_56 = arith.cmpi sge, %add3A_48, %ge3A_55 : i32
      %and3A_57 = arith.andi %ge3A_56, %lt3A_54 : i1
      %convert_element_type3A_58 = arith.extui %and3A_57 : i1 to i32
      %cond3A_59 = arith.constant 0 : i32
      %cond3A_60 = arith.cmpi ne, %convert_element_type3A_58, %cond3A_59 : i32
      scf.if %cond3A_60 {
        %dma_wait3A_74 = arith.constant 0 : i32
        %dma_wait3A_75 = tpu.memref_slice %arg4[%mul3A_2, %dma_wait3A_74] : memref<819200x256xf32, #tpu.memory_space<hbm>> -> memref<128x256xf32, #tpu.memory_space<hbm>>
        %dma_wait3A_76 = arith.constant 0 : i32
        %dma_wait3A_77 = tpu.memref_slice %arg4[%mul3A_2, %dma_wait3A_76] : memref<819200x256xf32, #tpu.memory_space<hbm>> -> memref<128x256xf32, #tpu.memory_space<hbm>>
        tpu.wait_dma2 semaphore(%arg11 : memref<!tpu.dma_semaphore, #tpu.memory_space<semaphore_mem>>) src(%arg7 : memref<128x256xf32, #tpu.memory_space<vmem>>) dst(%dma_wait3A_77 : memref<128x256xf32, #tpu.memory_space<hbm>>)
      } else {
      }
      %convert_element_type3A_61 = arith.extui %lt3A_54 : i1 to i32
      %cond3A_62 = arith.constant 0 : i32
      %cond3A_63 = arith.cmpi ne, %convert_element_type3A_61, %cond3A_62 : i32
      scf.if %cond3A_63 {
        %add3A_74 = arith.constant 2 : i32
        %add3A_75 = arith.addi %add3A_48, %add3A_74 : i32
        %sub3A_76 = arith.constant 1 : i32
        %sub3A_77 = arith.subi %add3A_75, %sub3A_76 : i32
        %add3A_78 = arith.addi %mul3A_4, %sub3A_77 : i32
        "tpu.region"() ({
          %run_scoped3A = tpu.sem_alloc : memref<!tpu.dma_semaphore, #tpu.memory_space<semaphore_mem>>
          %dma_start3A_82 = arith.constant 0 : i32
          %dma_start3A_83 = tpu.memref_slice %arg2[%add3A_78, %dma_start3A_82] : memref<6400x128xi32, #tpu.memory_space<hbm>> -> memref<1x128xi32, #tpu.memory_space<hbm>>
          %dma_start3A_84 = tpu.memref_squeeze %dma_start3A_83 : memref<1x128xi32, #tpu.memory_space<hbm>> -> memref<128xi32, #tpu.memory_space<hbm>>
          %dma_start3A_85 = arith.constant 0 : i32
          %dma_start3A_86 = tpu.memref_slice %arg2[%add3A_78, %dma_start3A_85] : memref<6400x128xi32, #tpu.memory_space<hbm>> -> memref<1x128xi32, #tpu.memory_space<hbm>>
          %dma_start3A_87 = tpu.memref_squeeze %dma_start3A_86 : memref<1x128xi32, #tpu.memory_space<hbm>> -> memref<128xi32, #tpu.memory_space<hbm>>
          tpu.enqueue_dma source(%dma_start3A_87 : memref<128xi32, #tpu.memory_space<hbm>>) target(%arg5 : memref<128xi32, #tpu.memory_space<vmem>>) target_semaphore(%run_scoped3A : memref<!tpu.dma_semaphore, #tpu.memory_space<semaphore_mem>>)
          %dma_wait3A_88 = arith.constant 0 : i32
          %dma_wait3A_89 = tpu.memref_slice %arg2[%add3A_78, %dma_wait3A_88] : memref<6400x128xi32, #tpu.memory_space<hbm>> -> memref<1x128xi32, #tpu.memory_space<hbm>>
          %dma_wait3A_90 = tpu.memref_squeeze %dma_wait3A_89 : memref<1x128xi32, #tpu.memory_space<hbm>> -> memref<128xi32, #tpu.memory_space<hbm>>
          %dma_wait3A_91 = arith.constant 0 : i32
          %dma_wait3A_92 = tpu.memref_slice %arg2[%add3A_78, %dma_wait3A_91] : memref<6400x128xi32, #tpu.memory_space<hbm>> -> memref<1x128xi32, #tpu.memory_space<hbm>>
          %dma_wait3A_93 = tpu.memref_squeeze %dma_wait3A_92 : memref<1x128xi32, #tpu.memory_space<hbm>> -> memref<128xi32, #tpu.memory_space<hbm>>
          tpu.wait_dma2 semaphore(%run_scoped3A : memref<!tpu.dma_semaphore, #tpu.memory_space<semaphore_mem>>) src(%dma_wait3A_93 : memref<128xi32, #tpu.memory_space<hbm>>) dst(%arg5 : memref<128xi32, #tpu.memory_space<vmem>>)
          tpu.yield
        }) : () -> ()
        %dma_start3A_79 = arith.constant 0 : i32
        %dma_start3A_80 = arith.constant 0 : i32
        %dma_start3A_81 = tpu.memref_slice %arg3[%dma_start3A_79, %dma_start3A_80] : memref<625x256xf32, #tpu.memory_space<hbm>> -> memref<625x256xf32, #tpu.memory_space<hbm>>
        tpu.enqueue_indirect_dma source(%dma_start3A_81 : memref<625x256xf32, #tpu.memory_space<hbm>>) target(%arg7 : memref<128x256xf32, #tpu.memory_space<vmem>>) offsets(%arg5 : memref<128xi32, #tpu.memory_space<vmem>>) semaphore(%arg9 : memref<!tpu.dma_semaphore, #tpu.memory_space<semaphore_mem>>)
      } else {
      }
      %dma_wait3A_64 = arith.constant 0 : i32
      %dma_wait3A_65 = arith.constant 0 : i32
      %dma_wait3A_66 = tpu.memref_slice %arg3[%dma_wait3A_64, %dma_wait3A_65] : memref<625x256xf32, #tpu.memory_space<hbm>> -> memref<625x256xf32, #tpu.memory_space<hbm>>
      tpu.wait_indirect_dma semaphore(%arg10 : memref<!tpu.dma_semaphore, #tpu.memory_space<semaphore_mem>>) src(%dma_wait3A_66 : memref<625x256xf32, #tpu.memory_space<hbm>>) dst(%arg8 : memref<128x256xf32, #tpu.memory_space<vmem>>)
      %mul3A_67 = arith.constant 128 : i32
      %mul3A_68 = arith.muli %add3A_48, %mul3A_67 : i32
      %add3A_69 = arith.addi %mul3A_2, %mul3A_68 : i32
      %dma_start3A_70 = arith.constant 0 : i32
      %dma_start3A_71 = tpu.memref_slice %arg4[%add3A_69, %dma_start3A_70] : memref<819200x256xf32, #tpu.memory_space<hbm>> -> memref<128x256xf32, #tpu.memory_space<hbm>>
      %dma_start3A_72 = arith.constant 0 : i32
      %dma_start3A_73 = tpu.memref_slice %arg4[%add3A_69, %dma_start3A_72] : memref<819200x256xf32, #tpu.memory_space<hbm>> -> memref<128x256xf32, #tpu.memory_space<hbm>>
      tpu.enqueue_dma source(%arg8 : memref<128x256xf32, #tpu.memory_space<vmem>>) target(%dma_start3A_73 : memref<128x256xf32, #tpu.memory_space<hbm>>) target_semaphore(%arg12 : memref<!tpu.dma_semaphore, #tpu.memory_space<semaphore_mem>>)
    }
    %scan3A_13 = arith.constant 100 : i32
    %dma_wait3A = arith.constant 0 : i32
    %dma_wait3A_14 = tpu.memref_slice %arg4[%mul3A_2, %dma_wait3A] : memref<819200x256xf32, #tpu.memory_space<hbm>> -> memref<128x256xf32, #tpu.memory_space<hbm>>
    %dma_wait3A_15 = arith.constant 0 : i32
    %dma_wait3A_16 = tpu.memref_slice %arg4[%mul3A_2, %dma_wait3A_15] : memref<819200x256xf32, #tpu.memory_space<hbm>> -> memref<128x256xf32, #tpu.memory_space<hbm>>
    tpu.wait_dma2 semaphore(%arg11 : memref<!tpu.dma_semaphore, #tpu.memory_space<semaphore_mem>>) src(%arg7 : memref<128x256xf32, #tpu.memory_space<vmem>>) dst(%dma_wait3A_16 : memref<128x256xf32, #tpu.memory_space<hbm>>)
    %dma_wait3A_17 = arith.constant 0 : i32
    %dma_wait3A_18 = tpu.memref_slice %arg4[%mul3A_2, %dma_wait3A_17] : memref<819200x256xf32, #tpu.memory_space<hbm>> -> memref<128x256xf32, #tpu.memory_space<hbm>>
    %dma_wait3A_19 = arith.constant 0 : i32
    %dma_wait3A_20 = tpu.memref_slice %arg4[%mul3A_2, %dma_wait3A_19] : memref<819200x256xf32, #tpu.memory_space<hbm>> -> memref<128x256xf32, #tpu.memory_space<hbm>>
    tpu.wait_dma2 semaphore(%arg12 : memref<!tpu.dma_semaphore, #tpu.memory_space<semaphore_mem>>) src(%arg8 : memref<128x256xf32, #tpu.memory_space<vmem>>) dst(%dma_wait3A_20 : memref<128x256xf32, #tpu.memory_space<hbm>>)
    return
  }
}

</mosaic_0001>

<sc_bundles>
// kernel: kernel.3.cloned.1.call-start
scs
__scs_entry_jumppad:
0x0: {  	(pc) =	sbr.rel $0x88, $3  }
0x1: {  	(tag) =	ssettag $0x0;
	lr =	simm.s32 $0x1  }
0x2: {  	[smem:$0x3F9F] =	sst lr;
	_ =	strace $0xD0000000  }
0x3: {  	_ = 	snop  }
0x4: {  	_ = 	snop  }
0x5: {  	_ = 	snop  }
0x6: {  	_ = 	snop  }
0x7: {  	_ = 	snop  }
__scs_overlays_trampoline_lowered:
0x8: {  	[smem:$0x3FAE] =	sst s0  }
0x9: {  	[smem:$0x3FAF] =	sst s1  }
0xa: {  	[smem:$0x3FB0] =	sst s2  }
0xb: {  	[smem:$0x3FB1] =	sst s3  }
0xc: {  	[smem:$0x3FB2] =	sst s4  }
0xd: {  	[smem:$0x3FB3] =	sst s5  }
0xe: {  	[smem:$0x3FB4] =	sst s6  }
0xf: {  	[smem:$0x3FB5] =	sst s7  }
0x10: {  	[smem:$0x3FB6] =	sst s8  }
0x11: {  	[smem:$0x3FB7] =	sst s9;
	s0 =	simm.s32 @!p0 $0x0  }
0x12: {  	s1 =	sld [smem:$0x3F9D];
	s0 =	simm.s32 @p0 $0x1  }
0x13: {  	[smem:$0x3FB8] =	sst s0;
	s0 =	simm.s32 @!p1 $0x0  }
0x14: {  	s2 =	sld [smem:$0x3F9C];
	s0 =	simm.s32 @p1 $0x1  }
0x15: {  	[smem:$0x3FB9] =	sst s0;
	s0 =	simm.s32 @!p2 $0x0  }
0x16: {  	s3 =	sld [smem:$0x3FDB];
	s0 =	simm.s32 @p2 $0x1  }
0x17: {  	s4 =	simm.s32 $0x1BF5;
	[smem:$0x3FBB] =	sst s0  }
0x18: {  	s0 =	sld [smem:$0x3F9E];
	_ =	swait.ge [sflag:s4], $0x0  }
0x19: {  	s7 =	sld [smem:$0x3F9F]  }
0x1a: {  	s8 =	sadd.s32 $0xFFFFE003, lr  }
0x1b: {  	s9 =	sadd.s32 $0xFFFFFEF7, lr;
	s5 =	simm.s32 $0xFFFFFFFF;
	p2 =	slt.u32 s8, $0xFFFFF086  }
0x1c: {  	p1 =	slt.u32 s9, $0xF7A;
	s5 =	simm.s32 @!p2 $0x0  }
0x1d: {  	s5 =	simm.s32 @p1 $0x1;
	p0 =	seq.s32 s7, s2  }
0x1e: {  	s7 =	smul.u32 @!p0 $0xF7A, s2;
	p2 =	seq.s32 @!p0 s5, $0x0  }
0x1f: {  	s9 =	smul.u32 $0xF7A, s1;
	s8 =	simm.s32 @!p0 $0x1BF5;
	p2 =	por !p2, p0  }
0x20: {  	[sflag:s8] =	ssyncset.s32 @!p0 $0xFFFFF086;
	s6 =	sadd.s32 @!p0 s3, s7;
	s7 =	simm.s32 @!p0 $0x108  }
0x21: {  	s3 =	sadd.s32 s3, s9;
	s6 =	sadd.s32 @!p0 $0x88, s6;
	s7 =	simm.s32 @p2 $0x1082  }
0x22: {  	[simem:s7], [sflag:s8] =	dma.local @!p0 [hbm:s6], $0xF7A  }
0x23: {  	s9 =	sor.u32 $0xD0000000, s2;
	s6 =	simm.s32 $0x108;
	_ =	swait.ge @!p0 [sflag:s8], $0x0  }
0x24: {  	s3 =	sadd.s32 $0x88, s3;
	s6 =	simm.s32 @!p1 $0x1082;
	[sflag:s4] =	ssyncset.s32 $0xFFFFF086  }
0x25: {  	[simem:s6], [sflag:s4] =	dma.local [hbm:s3], $0xF7A  }
0x26: {  	[smem:$0x3F9F] =	sst s1;
	(tag) =	ssettag s2;
	_ =	strace s9  }
0x27: {  	s1 =	sld [smem:$0x3FAF]  }
0x28: {  	s2 =	sld [smem:$0x3FB0]  }
0x29: {  	s4 =	sld [smem:$0x3FB2]  }
0x2a: {  	p0 =	seq.s32 s5, $0x0;
	s5 =	sld [smem:$0x3FB3]  }
0x2b: {  	s6 =	sld [smem:$0x3FB4]  }
0x2c: {  	s7 =	sld [smem:$0x3FB5]  }
0x2d: {  	s3 =	simm.s32 $0x108;
	s8 =	sld [smem:$0x3FB6]  }
0x2e: {  	s3 =	simm.s32 @!p0 $0x1082;
	s9 =	sld [smem:$0x3FB7]  }
0x2f: {  	lr =	sadd.s32 s0, s3;
	s0 =	sld [smem:$0x3FAE]  }
0x30: {  	s3 =	sld [smem:$0x3FB1]  }
0x31: {  	[smem:$0x3FBA] =	sst s10  }
0x32: {  	s10 =	sld [smem:$0x3FB8];
	_ =	sdelay $0x3  }
0x33: {  	p0 =	seq.s32 s10, $0x1;
	s10 =	sld [smem:$0x3FBA];
	_ =	sdelay $0x3  }
0x34: {  	[smem:$0x3FBA] =	sst s10  }
0x35: {  	s10 =	sld [smem:$0x3FB9];
	_ =	sdelay $0x3  }
0x36: {  	p1 =	seq.s32 s10, $0x1;
	s10 =	sld [smem:$0x3FBA];
	_ =	sdelay $0x3  }
0x37: {  	[smem:$0x3FBA] =	sst s10  }
0x38: {  	s10 =	sld [smem:$0x3FBB]  }
0x39: {  	_ = 	snop;
	(pc) =	sbr.ind lr, $3  }
0x3a: {  	_ = 	snop  }
0x3b: {  	_ = 	snop  }
0x3c: {  	p2 =	seq.s32 s10, $0x1;
	s10 =	sld [smem:$0x3FBA]  }
0x3d: {  	_ =	shalt  }
0x3e: {  	_ =	shalt  }
0x3f: {  	_ =	shalt  }
0x40: {  	_ =	shalt  }
0x41: {  	_ =	shalt  }
0x42: {  	_ =	shalt  }
0x43: {  	_ =	shalt  }
0x44: {  	_ =	shalt  }
0x45: {  	_ =	shalt  }
0x46: {  	_ =	shalt  }
0x47: {  	_ =	shalt  }
0x48: {  	_ =	shalt  }
0x49: {  	_ =	shalt  }
0x4a: {  	_ =	shalt  }
0x4b: {  	_ =	shalt  }
0x4c: {  	_ =	shalt  }
0x4d: {  	_ =	shalt  }
0x4e: {  	_ =	shalt  }
0x4f: {  	_ =	shalt  }
0x50: {  	_ =	shalt  }
0x51: {  	_ =	shalt  }
0x52: {  	_ =	shalt  }
0x53: {  	_ =	shalt  }
0x54: {  	_ =	shalt  }
0x55: {  	_ =	shalt  }
0x56: {  	_ =	shalt  }
0x57: {  	_ =	shalt  }
0x58: {  	_ =	shalt  }
0x59: {  	_ =	shalt  }
0x5a: {  	_ =	shalt  }
0x5b: {  	_ =	shalt  }
0x5c: {  	_ =	shalt  }
0x5d: {  	_ =	shalt  }
0x5e: {  	_ =	shalt  }
0x5f: {  	_ =	shalt  }
0x60: {  	_ =	shalt  }
0x61: {  	_ =	shalt  }
0x62: {  	_ =	shalt  }
0x63: {  	_ =	shalt  }
0x64: {  	_ =	shalt  }
0x65: {  	_ =	shalt  }
0x66: {  	_ =	shalt  }
0x67: {  	_ =	shalt  }
0x68: {  	_ =	shalt  }
0x69: {  	_ =	shalt  }
0x6a: {  	_ =	shalt  }
0x6b: {  	_ =	shalt  }
0x6c: {  	_ =	shalt  }
0x6d: {  	_ =	shalt  }
0x6e: {  	_ =	shalt  }
0x6f: {  	_ =	shalt  }
0x70: {  	_ =	shalt  }
0x71: {  	_ =	shalt  }
0x72: {  	_ =	shalt  }
0x73: {  	_ =	shalt  }
0x74: {  	_ =	shalt  }
0x75: {  	_ =	shalt  }
0x76: {  	_ =	shalt  }
0x77: {  	_ =	shalt  }
0x78: {  	_ =	shalt  }
0x79: {  	_ =	shalt  }
0x7a: {  	_ =	shalt  }
0x7b: {  	_ =	shalt  }
0x7c: {  	_ =	shalt  }
0x7d: {  	_ =	shalt  }
0x7e: {  	_ =	shalt  }
0x7f: {  	_ =	shalt  }
0x80: {  	_ =	shalt  }
0x81: {  	_ =	shalt  }
0x82: {  	_ =	shalt  }
0x83: {  	_ =	shalt  }
0x84: {  	_ =	shalt  }
0x85: {  	_ =	shalt  }
0x86: {  	_ =	shalt  }
0x87: {  	_ =	shalt  }
.Lfunc_end0:
.L_simem_size_0:
called_computation.1_lowered:
.L_overlay_start_0:
0x88: {  	s2 =	sld [smem:$0x3FD9]  }
0x89: {  	s3 =	sld [smem:$0x3FFE];
	_ =	sdelay $0x1  }
0x8a: {  	s1 =	srdreg.scid  }
0x8b: {  	s0 =	sand.u32 $0x1, s1  }
0x8c: {  	s17 =	sshll.u32 s0, $0xA;
	s2 =	sadd.s32 s3, s2  }
0x8d: {  	s2 =	sadd.s32 s2, s17  }
0x8e: {  	[smem:$0x3FC6] =	sst s2  }
0x8f: {  	_ = 	snop  }
0x90: {  	s2 =	sld [smem:$0x3FD0];
	(tm) =	ssettm $0x1  }
0x91: {  	s18 =	sld [smem:$0x3FFB];
	_ =	sdelay $0x3  }
0x92: {  	_ =	strace s18  }
0x93: {  	s3 =	sld [smem:$0x3FFC];
	_ =	sdelay $0x3  }
0x94: {  	_ =	strace s3  }
0x95: {  	s3 =	sld [smem:$0x3FFD];
	_ =	sdelay $0x3  }
0x96: {  	_ =	strace s3  }
0x97: {  	_ =	strace $0x8FFFFFFF  }
0x98: {  	s19 =	sld [smem:$0x3FDB];
	_ =	sdelay $0x1  }
0x99: {  	s4 =	simm.s32 $_scs_section_size  }
0x9a: {  	s5 =	simm.s32 $_size__tile_overlayer_lowered;
	s6 =	simm.s32 $_tile_overlayer_lowered  }
0x9b: {  	s22 =	simm.s32 $0x1BFF;
	s21 =	sshll.u32 s6, $0x1;
	s3 =	sadd.s32 s4, s19  }
0x9c: {  	s7 =	simm.s32 $0x0;
	s20 =	sshll.u32 s5, $0x1;
	s5 =	sadd.s32 s21, s3  }
0x9d: {  	[timem:s7], [sflag:s22] =	dma.local [hbm:s5], s20  }
0x9e: {  	_ =	swait.ge [sflag:s22], s20  }
0x9f: {  	s4 =	ssub.s32 $0x0, s20;
	[sflag:s22] =	ssyncset.done $0x0  }
0xa0: {  	[sflag:s22] =	ssyncadd.s32 s4;
	_ =	sdelay $0x1  }
0xa1: {  	s23 =	simm.s32 $0x1B8B  }
0xa2: {  	_ =	swait.ge [sflag:s23], $0x1  }
0xa3: {  	[sflag:s23] =	ssyncset.done $0x0  }
0xa4: {  	s25 =	simm.s32 $0x1B8E;
	s24 =	sld [smem:$0x3FFE];
	[sflag:s23] =	ssyncadd.s32 $0xFFFFFFFF  }
0xa5: {  	s26 =	simm.s32 $execute0_lowered;
	[smem:$0x3FD2] =	sst s25  }
0xa6: {  	s5 =	sshll.u32 s26, $0x1;
	_ =	strace $0x80000046;
	[dreg:$0x1] =	wrdreg $0xFFFFFFFF  }
0xa7: {  	s28 =	simm.s32 $_size_execute0_lowered;
	s3 =	sadd.s32 s3, s5;
	[dreg:$0x0] =	wrdreg $0x0  }
0xa8: {  	s5 =	sshll.u32 s28, $0x1;
	[dreg:$0x2] =	wrdreg s3  }
0xa9: {  	[dreg:$0x3] =	wrdreg s5  }
0xaa: {  	[dreg:$0x4] =	wrdreg $0xC0  }
0xab: {  	_ =	task [dreg:s7], $0x5FFFF  }
0xac: {  	[dreg:$0x1] =	wrdreg $0xFFFFFFFF  }
0xad: {  	[dreg:$0x0] =	wrdreg $0x60  }
0xae: {  	[dreg:$0x2] =	wrdreg s24  }
0xaf: {  	[dreg:$0x3] =	wrdreg s2  }
0xb0: {  	[dreg:$0x4] =	wrdreg $0x9  }
0xb1: {  	_ =	task.clear_ibuf [dreg:s7], $0x5FFFF;
	_ =	strace $0x90000046  }
0xb2: {  	s29 =	simm.s32 $0x9;
	_ =	strace $0x80000048  }
0xb3: {  	_ =	swait.ge [sflag:s29], $0x1  }
0xb4: {  	[sflag:s29] =	ssyncadd.s32 $0xFFFFFFFF  }
0xb5: {  	_ =	strace $0x90000048  }
0xb6: {  	_ =	sfence  }
0xb7: {  	s30 =	sld [smem:$0x0];
	_ =	sdelay $0x2  }
0xb8: {  	s31 =	sshll.u32 s1, $0xD;
	s1 =	sshrl.u32 s1, $0x2  }
0xb9: {  	s3 =	sand.u32 $0x4000, s31;
	s1 =	sadd.s32 s1, s30  }
0xba: {  	s0 =	sor.u32 s3, s0;
	s1 =	sshll.u32 s1, $0x11  }
0xbb: {  	s0 =	sor.u32 s1, s0  }
0xbc: {  	s0 =	sadd.s32 $0x8F2B, s0  }
0xbd: {  	[sflag:s0] =	ssyncadd.remote.s32 $0x1  }
0xbe: {  	_ =	sfence.sel $0xFFFF  }
0xbf: {  	[dreg:$0x0] =	wrdreg $0xFFFFFFFF;
	(pc) =	sbr.abs _section_cstart, $3  }
0xc0: {  	[dreg:$0x1] =	wrdreg $0xFFFFFFFF  }
0xc1: {  	_ =	task.clear_ibuf [dreg:s7], $0x2FFFF;
	_ =	strace $0x9FFFFFFF  }
0xc2: {  	(tm) =	ssettm $0x7FFFFFFF  }
0xc3: {  	_ =	shalt  }
tec
execute0_lowered:
.L_overlay_start_1:
0x0: {  	(tag) =	ssettag $0x1  }
0x1: {  	s0 =	rddreg [dreg:$0x0]  }
0x2: {  	s2 =	rddreg [dreg:$0x1];
	s1 =	simm.s32 $0x0;
	s4 =	srdreg.scid  }
0x3: {  	s10 =	stileid.u32;
	s11 =	simm.s32 $0x100;
	s29 =	simm.s32 $0x8100  }
0x4: {  	s31 =	simm.s32 $0x9100;
	s12 =	simm.s32 $0xC900;
	s13 =	simm.s32 $0xD100  }
0x5: {  	s14 =	simm.s32 $0xD900;
	s15 =	simm.s32 $0xE100;
	s16 =	simm.s32 $0xE900  }
0x6: {  	s17 =	simm.s32 $0xF100;
	s18 =	simm.s32 $0xF900;
	s19 =	simm.s32 $0x1  }
0x7: {  	s20 =	simm.s32 $0x2;
	s21 =	simm.s32 $0x3;
	s9 =	smul.u32 $0x640000, s10  }
0x8: {  	[smem:$0x7FF] =	sst s1;
	s5 =	sand.u32 $0x1, s4;
	s24 =	smul.u32 $0xC80, s10  }
0x9: {  	s3 =	sadd.s32 $0xAC00, s0;
	_ =	strace $0x80000047;
	s6 =	smul.u32 $0x6400000, s5  }
0xa: {  	s4 =	sshll.u32 s5, $0x4;
	s7 =	ssub.s32 $0x2, s5;
	s5 =	smul.u32 $0xC800, s5  }
0xb: {  	s8 =	sor.u32 s10, s4;
	s4 =	sadd.s32 $0xC00, s0;
	s22 =	sshrl.u32 s7, $0x1  }
0xc: {  	s10 =	simm.s32 $0x5;
	s8 =	smul.u32 $0xC80, s8;
	s0 =	ssub.s32 s7, s22  }
0xd: {  	s6 =	sadd.s32 s9, s6;
	s7 =	simm.s32 $0xB900;
	s9 =	simm.s32 $0xC100  }
0xe: {  	s25 =	sor.u32 $0x8000, s6;
	s0 =	smax.u32 s0, $0x1;
	s26 =	sshrl.u32 s6, $0x3  }
.Ltmp0:
0xf: {  	s6 =	simm.s32 $0xB100;
	s23 =	sadd.s32 s3, s8;
	(pc) =	sbr.rel .LBB2_1-.Ltmp0, $4  }
0x10: {  	[dreg:$0x4] =	wrdreg s0;
	s28 =	sshrl.u32 s25, $0x3;
	s0 =	sadd.s32 s26, s2  }
0x11: {  	v2 =	vlaneseq.u32;
	s8 =	sadd.s32 s24, s5;
	s5 =	simm.s32 $0xA900;
	[dreg:$0x3] =	wrdreg s23  }
0x12: {  	vm0 =	vmmov $0xffff;
	v1 =	vshrl.u32 v2, $0x3;
	s24 =	simm.s32 $0x0;
	[dreg:$0x5] =	wrdreg s0;
	s30 =	sadd.s32 s28, s2  }
0x13: {  	v0 =	vand.u32 $0x7, v2;
	v2 =	vor.u32 $0x8, v2;
	v1 =	vmul.u32 $0x8, v1;
	s0 =	simm.s32 $0x9900;
	s2 =	simm.s32 $0xA100;
	[dreg:$0x6] =	wrdreg s30  }
.LBB2_5:
0x14: {  	_ =	swait.ge [sflag:s21], $0x8000  }
0x15: {  	[sflag:s21] =	ssyncset.done $0x0  }
0x16: {  	s23 =	simm.s32 $0x4;
	[sflag:s21] =	ssyncadd.s32 $0xFFFF8000  }
0x17: {  	_ =	swait.ge [sflag:s23], $0x8000  }
0x18: {  	s24 =	rddreg [dreg:$0x7]  }
0x19: {  	s22 =	rddreg [dreg:$0x4];
	s24 =	sadd.s32 $0x1, s24  }
0x1a: {  	p0 =	sne.s32 s24, s22  }
.Ltmp1:
0x1b: {  	_ = 	snop;
	(pc) =	sbr.rel @!p0 .LBB2_6-.Ltmp1, $3  }
0x1c: {  	_ =	sdelay $0x1  }
0x1d: {  	[sflag:s23] =	ssyncset.done $0x0  }
0x1e: {  	[sflag:s23] =	ssyncadd.s32 $0xFFFF8000  }
.LBB2_1:
0x1f: {  	[dreg:$0x7] =	wrdreg s24  }
0x20: {  	s22 =	rddreg [dreg:$0x3]  }
0x21: {  	[tilespmem:s1], [sflag:$0x5] =	stream.linear.gather [hbm4b:s22+s1], $0x80, $0x38;
	[tilespmem:$0x10100] =	vst v63  }
0x22: {  	_ =	swait.ge [sflag:s10], $0x80  }
0x23: {  	[sflag:s10] =	ssyncset.done $0x0  }
0x24: {  	[sflag:s10] =	ssyncadd.s32 $0xFFFFFF80  }
0x25: {  	v3 =	vld [tilespmem:$0x0];
	_ =	sdelay $0x4  }
0x26: {  	v4 =	vshll.u32 v3, $0x1  }
0x27: {  	v3 =	vand.u32 $0x7, v3;
	v4 =	vand.u32 $0xFFFFFFF0, v4  }
0x28: {  	v3 =	vor.u32 v3, v4  }
0x29: {  	v4 =	vperm.xlane v3, v0;
	_ =	sdelay $0x1  }
0x2a: {  	v3 =	vperm.xlane v3, v2;
	v4 =	vadd.s32 v1, v4;
	_ =	sdelay $0x1  }
0x2b: {  	v3 =	vadd.s32 v1, v3;
	_ =	sdelay $0x2  }
0x2c: {  	[tilespmem:s11], [sflag:$0x1] =	stream.indirect_vreg.gather [hbm4b:s4+s1], $0x80, v4, vm0, $0xb8;
	[tilespmem:$0x10100] =	vst v63  }
0x2d: {  	s26 =	simm.s32 $0x900  }
0x2e: {  	[tilespmem:s26], [sflag:$0x1] =	stream.indirect_vreg.gather [hbm4b:s4+s1], $0x80, v3, vm0, $0xb8;
	[tilespmem:$0x10100] =	vst v63  }
0x2f: {  	v3 =	vld [tilespmem:$0x10];
	_ =	sdelay $0x4  }
0x30: {  	v57 =	vshll.u32 v3, $0x1  }
0x31: {  	v3 =	vand.u32 $0x7, v3;
	v4 =	vand.u32 $0xFFFFFFF0, v57  }
0x32: {  	v3 =	vor.u32 v3, v4  }
0x33: {  	v4 =	vperm.xlane v3, v0;
	_ =	sdelay $0x1  }
0x34: {  	v3 =	vperm.xlane v3, v2;
	v4 =	vadd.s32 v1, v4;
	_ =	sdelay $0x1  }
0x35: {  	v3 =	vadd.s32 v1, v3;
	_ =	sdelay $0x1  }
0x36: {  	s28 =	simm.s32 $0x1100  }
0x37: {  	[tilespmem:s28], [sflag:$0x1] =	stream.indirect_vreg.gather [hbm4b:s4+s1], $0x80, v4, vm0, $0xb8;
	[tilespmem:$0x10100] =	vst v63  }
0x38: {  	s30 =	simm.s32 $0x1900  }
0x39: {  	[tilespmem:s30], [sflag:$0x1] =	stream.indirect_vreg.gather [hbm4b:s4+s1], $0x80, v3, vm0, $0xb8;
	[tilespmem:$0x10100] =	vst v63  }
0x3a: {  	v3 =	vld [tilespmem:$0x20];
	_ =	sdelay $0x4  }
0x3b: {  	v58 =	vshll.u32 v3, $0x1  }
0x3c: {  	v3 =	vand.u32 $0x7, v3;
	v4 =	vand.u32 $0xFFFFFFF0, v58  }
0x3d: {  	v3 =	vor.u32 v3, v4  }
0x3e: {  	v4 =	vperm.xlane v3, v0;
	_ =	sdelay $0x1  }
0x3f: {  	v3 =	vperm.xlane v3, v2;
	v4 =	vadd.s32 v1, v4;
	_ =	sdelay $0x1  }
0x40: {  	v3 =	vadd.s32 v1, v3;
	_ =	sdelay $0x1  }
0x41: {  	s23 =	simm.s32 $0x2100  }
0x42: {  	[tilespmem:s23], [sflag:$0x1] =	stream.indirect_vreg.gather [hbm4b:s4+s1], $0x80, v4, vm0, $0xb8;
	[tilespmem:$0x10100] =	vst v63  }
0x43: {  	s24 =	simm.s32 $0x2900  }
0x44: {  	[tilespmem:s24], [sflag:$0x1] =	stream.indirect_vreg.gather [hbm4b:s4+s1], $0x80, v3, vm0, $0xb8;
	[tilespmem:$0x10100] =	vst v63  }
0x45: {  	v3 =	vld [tilespmem:$0x30];
	_ =	sdelay $0x4  }
0x46: {  	v59 =	vshll.u32 v3, $0x1  }
0x47: {  	v3 =	vand.u32 $0x7, v3;
	v4 =	vand.u32 $0xFFFFFFF0, v59  }
0x48: {  	v3 =	vor.u32 v3, v4  }
0x49: {  	v4 =	vperm.xlane v3, v0;
	_ =	sdelay $0x1  }
0x4a: {  	v3 =	vperm.xlane v3, v2;
	v4 =	vadd.s32 v1, v4;
	_ =	sdelay $0x1  }
0x4b: {  	v3 =	vadd.s32 v1, v3;
	_ =	sdelay $0x1  }
0x4c: {  	s25 =	simm.s32 $0x3100  }
0x4d: {  	[tilespmem:s25], [sflag:$0x1] =	stream.indirect_vreg.gather [hbm4b:s4+s1], $0x80, v4, vm0, $0xb8;
	[tilespmem:$0x10100] =	vst v63  }
0x4e: {  	s26 =	simm.s32 $0x3900  }
0x4f: {  	[tilespmem:s26], [sflag:$0x1] =	stream.indirect_vreg.gather [hbm4b:s4+s1], $0x80, v3, vm0, $0xb8;
	[tilespmem:$0x10100] =	vst v63  }
0x50: {  	v3 =	vld [tilespmem:$0x40];
	_ =	sdelay $0x4  }
0x51: {  	v60 =	vshll.u32 v3, $0x1  }
0x52: {  	v3 =	vand.u32 $0x7, v3;
	v4 =	vand.u32 $0xFFFFFFF0, v60  }
0x53: {  	v3 =	vor.u32 v3, v4  }
0x54: {  	v4 =	vperm.xlane v3, v0;
	_ =	sdelay $0x1  }
0x55: {  	v3 =	vperm.xlane v3, v2;
	v4 =	vadd.s32 v1, v4;
	_ =	sdelay $0x1  }
0x56: {  	v3 =	vadd.s32 v1, v3;
	_ =	sdelay $0x1  }
0x57: {  	s28 =	simm.s32 $0x4100  }
0x58: {  	[tilespmem:s28], [sflag:$0x1] =	stream.indirect_vreg.gather [hbm4b:s4+s1], $0x80, v4, vm0, $0xb8;
	[tilespmem:$0x10100] =	vst v63  }
0x59: {  	s30 =	simm.s32 $0x4900  }
0x5a: {  	[tilespmem:s30], [sflag:$0x1] =	stream.indirect_vreg.gather [hbm4b:s4+s1], $0x80, v3, vm0, $0xb8;
	[tilespmem:$0x10100] =	vst v63  }
0x5b: {  	v3 =	vld [tilespmem:$0x50];
	_ =	sdelay $0x4  }
0x5c: {  	v61 =	vshll.u32 v3, $0x1  }
0x5d: {  	v3 =	vand.u32 $0x7, v3;
	v4 =	vand.u32 $0xFFFFFFF0, v61  }
0x5e: {  	v3 =	vor.u32 v3, v4  }
0x5f: {  	v4 =	vperm.xlane v3, v0;
	_ =	sdelay $0x1  }
0x60: {  	v3 =	vperm.xlane v3, v2;
	v4 =	vadd.s32 v1, v4;
	_ =	sdelay $0x1  }
0x61: {  	v3 =	vadd.s32 v1, v3;
	_ =	sdelay $0x1  }
0x62: {  	s23 =	simm.s32 $0x5100  }
0x63: {  	[tilespmem:s23], [sflag:$0x1] =	stream.indirect_vreg.gather [hbm4b:s4+s1], $0x80, v4, vm0, $0xb8;
	[tilespmem:$0x10100] =	vst v63  }
0x64: {  	s24 =	simm.s32 $0x5900  }
0x65: {  	[tilespmem:s24], [sflag:$0x1] =	stream.indirect_vreg.gather [hbm4b:s4+s1], $0x80, v3, vm0, $0xb8;
	[tilespmem:$0x10100] =	vst v63  }
0x66: {  	v3 =	vld [tilespmem:$0x60];
	_ =	sdelay $0x4  }
0x67: {  	v62 =	vshll.u32 v3, $0x1  }
0x68: {  	v3 =	vand.u32 $0x7, v3;
	v4 =	vand.u32 $0xFFFFFFF0, v62  }
0x69: {  	v3 =	vor.u32 v3, v4  }
0x6a: {  	v4 =	vperm.xlane v3, v0;
	_ =	sdelay $0x1  }
0x6b: {  	v3 =	vperm.xlane v3, v2;
	v4 =	vadd.s32 v1, v4;
	_ =	sdelay $0x1  }
0x6c: {  	v3 =	vadd.s32 v1, v3;
	_ =	sdelay $0x1  }
0x6d: {  	s25 =	simm.s32 $0x6100  }
0x6e: {  	[tilespmem:s25], [sflag:$0x1] =	stream.indirect_vreg.gather [hbm4b:s4+s1], $0x80, v4, vm0, $0xb8;
	[tilespmem:$0x10100] =	vst v63  }
0x6f: {  	s26 =	simm.s32 $0x6900  }
0x70: {  	[tilespmem:s26], [sflag:$0x1] =	stream.indirect_vreg.gather [hbm4b:s4+s1], $0x80, v3, vm0, $0xb8;
	[tilespmem:$0x10100] =	vst v63  }
0x71: {  	v3 =	vld [tilespmem:$0x70];
	_ =	sdelay $0x4  }
0x72: {  	v63 =	vshll.u32 v3, $0x1  }
0x73: {  	v3 =	vand.u32 $0x7, v3;
	v4 =	vand.u32 $0xFFFFFFF0, v63  }
0x74: {  	v3 =	vor.u32 v3, v4  }
0x75: {  	v4 =	vperm.xlane v3, v0;
	_ =	sdelay $0x1  }
0x76: {  	v3 =	vperm.xlane v3, v2;
	v4 =	vadd.s32 v1, v4;
	_ =	sdelay $0x1  }
0x77: {  	v3 =	vadd.s32 v1, v3  }
.Ltmp2:
0x78: {  	_ = 	snop;
	(pc) =	sbr.rel .LBB2_2-.Ltmp2, $4  }
0x79: {  	s28 =	simm.s32 $0x7100;
	s23 =	rddreg [dreg:$0x6]  }
0x7a: {  	[tilespmem:s28], [sflag:$0x1] =	stream.indirect_vreg.gather [hbm4b:s4+s1], $0x80, v4, vm0, $0xb8;
	[tilespmem:$0x10100] =	vst v63  }
0x7b: {  	s22 =	simm.s32 $0x20;
	s30 =	simm.s32 $0x7900;
	s24 =	rddreg [dreg:$0x5]  }
0x7c: {  	[tilespmem:s30], [sflag:$0x1] =	stream.indirect_vreg.gather [hbm4b:s4+s1], $0x80, v3, vm0, $0xb8;
	[tilespmem:$0x10100] =	vst v63  }
.LBB2_4:
0x7d: {  	s22 =	sadd.s32 $0x20, s22  }
0x7e: {  	p0 =	sne.s32 s22, $0xCA0  }
.Ltmp3:
0x7f: {  	_ =	swait.ge [sflag:s20], $0x8000;
	(pc) =	sbr.rel @!p0 .LBB2_5-.Ltmp3, $4  }
0x80: {  	[sflag:s20] =	ssyncset.done $0x0  }
0x81: {  	[sflag:s20] =	ssyncadd.s32 $0xFFFF8000  }
0x82: {  	[hbm4b:s23+s1] =	stream.linear.scatter [tilespmem:s29], [sflag:$0x4], $0x8000, $0x38;
	[tilespmem:$0x10100] =	vst v63  }
0x83: {  	s24 =	sadd.s32 $0x2000, s24;
	s23 =	sadd.s32 $0x2000, s23  }
.LBB2_2:
0x84: {  	p0 =	seq.s32 s22, $0x20  }
0x85: {  	s25 =	sadd.s32 s22, s8;
	s28 =	sadd.s32 $0xFFFFFFF0, s22;
	s26 =	simm.s32 @!p0 $0x4  }
0x86: {  	s30 =	sadd.s32 $0xFFFFFFE0, s25;
	s28 =	sand.u32 $0x70, s28;
	_ =	swait.ge @!p0 [sflag:s26], $0x8000  }
0x87: {  	s30 =	sand.u32 $0xFFFFF80, s30;
	s28 =	sadd.s32 s3, s28;
	[sflag:s26] =	ssyncset.done @!p0 $0x0  }
0x88: {  	[sflag:s26] =	ssyncadd.s32 @!p0 $0xFFFF8000;
	s26 =	sadd.s32 s30, s28;
	s30 =	simm.s32 $0x80  }
0x89: {  	[tilespmem:s30], [sflag:$0x5] =	stream.linear.gather [hbm4b:s26+s1], $0x80, $0x38;
	[tilespmem:$0x10100] =	vst v63  }
0x8a: {  	_ =	swait.ge [sflag:s10], $0x80  }
0x8b: {  	[sflag:s10] =	ssyncset.done $0x0  }
0x8c: {  	[sflag:s10] =	ssyncadd.s32 $0xFFFFFF80  }
0x8d: {  	v3 =	vld [tilespmem:$0x80];
	_ =	sdelay $0x4  }
0x8e: {  	v4 =	vshll.u32 v3, $0x1  }
0x8f: {  	v3 =	vand.u32 $0x7, v3;
	v4 =	vand.u32 $0xFFFFFFF0, v4  }
0x90: {  	v3 =	vor.u32 v3, v4  }
0x91: {  	v4 =	vperm.xlane v3, v0;
	_ =	sdelay $0x1  }
0x92: {  	v3 =	vperm.xlane v3, v2;
	v4 =	vadd.s32 v1, v4;
	_ =	sdelay $0x1  }
0x93: {  	v3 =	vadd.s32 v1, v3;
	_ =	sdelay $0x2  }
0x94: {  	[tilespmem:s29], [sflag:$0x2] =	stream.indirect_vreg.gather [hbm4b:s4+s1], $0x80, v4, vm0, $0xb8;
	[tilespmem:$0x10100] =	vst v63  }
0x95: {  	s30 =	simm.s32 $0x8900  }
0x96: {  	[tilespmem:s30], [sflag:$0x2] =	stream.indirect_vreg.gather [hbm4b:s4+s1], $0x80, v3, vm0, $0xb8;
	[tilespmem:$0x10100] =	vst v63  }
0x97: {  	v3 =	vld [tilespmem:$0x90];
	_ =	sdelay $0x4  }
0x98: {  	v57 =	vshll.u32 v3, $0x1  }
0x99: {  	v3 =	vand.u32 $0x7, v3;
	v4 =	vand.u32 $0xFFFFFFF0, v57  }
0x9a: {  	v3 =	vor.u32 v3, v4  }
0x9b: {  	v4 =	vperm.xlane v3, v0;
	_ =	sdelay $0x1  }
0x9c: {  	v3 =	vperm.xlane v3, v2;
	v4 =	vadd.s32 v1, v4;
	_ =	sdelay $0x1  }
0x9d: {  	v3 =	vadd.s32 v1, v3;
	_ =	sdelay $0x2  }
0x9e: {  	[tilespmem:s31], [sflag:$0x2] =	stream.indirect_vreg.gather [hbm4b:s4+s1], $0x80, v4, vm0, $0xb8;
	[tilespmem:$0x10100] =	vst v63  }
0x9f: {  	_ = 	snop  }
0xa0: {  	[tilespmem:s0], [sflag:$0x2] =	stream.indirect_vreg.gather [hbm4b:s4+s1], $0x80, v3, vm0, $0xb8;
	[tilespmem:$0x10100] =	vst v63  }
0xa1: {  	v3 =	vld [tilespmem:$0xA0];
	_ =	sdelay $0x4  }
0xa2: {  	v58 =	vshll.u32 v3, $0x1  }
0xa3: {  	v3 =	vand.u32 $0x7, v3;
	v4 =	vand.u32 $0xFFFFFFF0, v58  }
0xa4: {  	v3 =	vor.u32 v3, v4  }
0xa5: {  	v4 =	vperm.xlane v3, v0;
	_ =	sdelay $0x1  }
0xa6: {  	v3 =	vperm.xlane v3, v2;
	v4 =	vadd.s32 v1, v4;
	_ =	sdelay $0x1  }
0xa7: {  	v3 =	vadd.s32 v1, v3;
	_ =	sdelay $0x2  }
0xa8: {  	[tilespmem:s2], [sflag:$0x2] =	stream.indirect_vreg.gather [hbm4b:s4+s1], $0x80, v4, vm0, $0xb8;
	[tilespmem:$0x10100] =	vst v63  }
0xa9: {  	_ = 	snop  }
0xaa: {  	[tilespmem:s5], [sflag:$0x2] =	stream.indirect_vreg.gather [hbm4b:s4+s1], $0x80, v3, vm0, $0xb8;
	[tilespmem:$0x10100] =	vst v63  }
0xab: {  	v3 =	vld [tilespmem:$0xB0];
	_ =	sdelay $0x4  }
0xac: {  	v59 =	vshll.u32 v3, $0x1  }
0xad: {  	v3 =	vand.u32 $0x7, v3;
	v4 =	vand.u32 $0xFFFFFFF0, v59  }
0xae: {  	v3 =	vor.u32 v3, v4  }
0xaf: {  	v4 =	vperm.xlane v3, v0;
	_ =	sdelay $0x1  }
0xb0: {  	v3 =	vperm.xlane v3, v2;
	v4 =	vadd.s32 v1, v4;
	_ =	sdelay $0x1  }
0xb1: {  	v3 =	vadd.s32 v1, v3;
	_ =	sdelay $0x2  }
0xb2: {  	[tilespmem:s6], [sflag:$0x2] =	stream.indirect_vreg.gather [hbm4b:s4+s1], $0x80, v4, vm0, $0xb8;
	[tilespmem:$0x10100] =	vst v63  }
0xb3: {  	_ = 	snop  }
0xb4: {  	[tilespmem:s7], [sflag:$0x2] =	stream.indirect_vreg.gather [hbm4b:s4+s1], $0x80, v3, vm0, $0xb8;
	[tilespmem:$0x10100] =	vst v63  }
0xb5: {  	v3 =	vld [tilespmem:$0xC0];
	_ =	sdelay $0x4  }
0xb6: {  	v60 =	vshll.u32 v3, $0x1  }
0xb7: {  	v3 =	vand.u32 $0x7, v3;
	v4 =	vand.u32 $0xFFFFFFF0, v60  }
0xb8: {  	v3 =	vor.u32 v3, v4  }
0xb9: {  	v4 =	vperm.xlane v3, v0;
	_ =	sdelay $0x1  }
0xba: {  	v3 =	vperm.xlane v3, v2;
	v4 =	vadd.s32 v1, v4;
	_ =	sdelay $0x1  }
0xbb: {  	v3 =	vadd.s32 v1, v3;
	_ =	sdelay $0x2  }
0xbc: {  	[tilespmem:s9], [sflag:$0x2] =	stream.indirect_vreg.gather [hbm4b:s4+s1], $0x80, v4, vm0, $0xb8;
	[tilespmem:$0x10100] =	vst v63  }
0xbd: {  	_ = 	snop  }
0xbe: {  	[tilespmem:s12], [sflag:$0x2] =	stream.indirect_vreg.gather [hbm4b:s4+s1], $0x80, v3, vm0, $0xb8;
	[tilespmem:$0x10100] =	vst v63  }
0xbf: {  	v3 =	vld [tilespmem:$0xD0];
	_ =	sdelay $0x4  }
0xc0: {  	v61 =	vshll.u32 v3, $0x1  }
0xc1: {  	v3 =	vand.u32 $0x7, v3;
	v4 =	vand.u32 $0xFFFFFFF0, v61  }
0xc2: {  	v3 =	vor.u32 v3, v4  }
0xc3: {  	v4 =	vperm.xlane v3, v0;
	_ =	sdelay $0x1  }
0xc4: {  	v3 =	vperm.xlane v3, v2;
	v4 =	vadd.s32 v1, v4;
	_ =	sdelay $0x1  }
0xc5: {  	v3 =	vadd.s32 v1, v3;
	_ =	sdelay $0x2  }
0xc6: {  	[tilespmem:s13], [sflag:$0x2] =	stream.indirect_vreg.gather [hbm4b:s4+s1], $0x80, v4, vm0, $0xb8;
	[tilespmem:$0x10100] =	vst v63  }
0xc7: {  	_ = 	snop  }
0xc8: {  	[tilespmem:s14], [sflag:$0x2] =	stream.indirect_vreg.gather [hbm4b:s4+s1], $0x80, v3, vm0, $0xb8;
	[tilespmem:$0x10100] =	vst v63  }
0xc9: {  	v3 =	vld [tilespmem:$0xE0];
	_ =	sdelay $0x4  }
0xca: {  	v62 =	vshll.u32 v3, $0x1  }
0xcb: {  	v3 =	vand.u32 $0x7, v3;
	v4 =	vand.u32 $0xFFFFFFF0, v62  }
0xcc: {  	v3 =	vor.u32 v3, v4  }
0xcd: {  	v4 =	vperm.xlane v3, v0;
	_ =	sdelay $0x1  }
0xce: {  	v3 =	vperm.xlane v3, v2;
	v4 =	vadd.s32 v1, v4;
	_ =	sdelay $0x1  }
0xcf: {  	v3 =	vadd.s32 v1, v3;
	_ =	sdelay $0x2  }
0xd0: {  	[tilespmem:s15], [sflag:$0x2] =	stream.indirect_vreg.gather [hbm4b:s4+s1], $0x80, v4, vm0, $0xb8;
	[tilespmem:$0x10100] =	vst v63  }
0xd1: {  	_ = 	snop  }
0xd2: {  	[tilespmem:s16], [sflag:$0x2] =	stream.indirect_vreg.gather [hbm4b:s4+s1], $0x80, v3, vm0, $0xb8;
	[tilespmem:$0x10100] =	vst v63  }
0xd3: {  	v3 =	vld [tilespmem:$0xF0];
	_ =	sdelay $0x4  }
0xd4: {  	v63 =	vshll.u32 v3, $0x1  }
0xd5: {  	v3 =	vand.u32 $0x7, v3;
	v4 =	vand.u32 $0xFFFFFFF0, v63  }
0xd6: {  	v3 =	vor.u32 v3, v4  }
0xd7: {  	v4 =	vperm.xlane v3, v0;
	_ =	sdelay $0x1  }
0xd8: {  	v3 =	vperm.xlane v3, v2;
	v4 =	vadd.s32 v1, v4;
	_ =	sdelay $0x1  }
0xd9: {  	v3 =	vadd.s32 v1, v3;
	_ =	sdelay $0x2  }
0xda: {  	[tilespmem:s17], [sflag:$0x2] =	stream.indirect_vreg.gather [hbm4b:s4+s1], $0x80, v4, vm0, $0xb8;
	[tilespmem:$0x10100] =	vst v63  }
0xdb: {  	p0 =	seq.s32 s22, $0xC80  }
0xdc: {  	[tilespmem:s18], [sflag:$0x2] =	stream.indirect_vreg.gather [hbm4b:s4+s1], $0x80, v3, vm0, $0xb8;
	[tilespmem:$0x10100] =	vst v63  }
.Ltmp4:
0xdd: {  	_ = 	snop;
	(pc) =	sbr.rel @p0 .LBB2_4-.Ltmp4, $4  }
0xde: {  	_ =	swait.ge [sflag:s19], $0x8000  }
0xdf: {  	[sflag:s19] =	ssyncset.done $0x0  }
0xe0: {  	[sflag:s19] =	ssyncadd.s32 $0xFFFF8000  }
0xe1: {  	[hbm4b:s24+s1] =	stream.linear.scatter [tilespmem:s11], [sflag:$0x3], $0x8000, $0x38;
	[tilespmem:$0x10100] =	vst v63  }
0xe2: {  	_ =	swait.ge [sflag:s21], $0x8000;
	s26 =	sand.u32 $0x60, s22  }
0xe3: {  	s25 =	sand.u32 $0xFFFFF80, s25;
	[sflag:s21] =	ssyncset.done $0x0;
	s26 =	sadd.s32 s3, s26  }
0xe4: {  	[sflag:s21] =	ssyncadd.s32 $0xFFFF8000;
	s25 =	sadd.s32 s25, s26  }
0xe5: {  	[tilespmem:s1], [sflag:$0x5] =	stream.linear.gather [hbm4b:s25+s1], $0x80, $0x38;
	[tilespmem:$0x10100] =	vst v63  }
0xe6: {  	_ =	swait.ge [sflag:s10], $0x80  }
0xe7: {  	[sflag:s10] =	ssyncset.done $0x0  }
0xe8: {  	[sflag:s10] =	ssyncadd.s32 $0xFFFFFF80  }
0xe9: {  	v3 =	vld [tilespmem:$0x0];
	_ =	sdelay $0x4  }
0xea: {  	v4 =	vshll.u32 v3, $0x1  }
0xeb: {  	v3 =	vand.u32 $0x7, v3;
	v4 =	vand.u32 $0xFFFFFFF0, v4  }
0xec: {  	v3 =	vor.u32 v3, v4  }
0xed: {  	v4 =	vperm.xlane v3, v0;
	_ =	sdelay $0x1  }
0xee: {  	v3 =	vperm.xlane v3, v2;
	v4 =	vadd.s32 v1, v4;
	_ =	sdelay $0x1  }
0xef: {  	v3 =	vadd.s32 v1, v3;
	_ =	sdelay $0x2  }
0xf0: {  	[tilespmem:s11], [sflag:$0x1] =	stream.indirect_vreg.gather [hbm4b:s4+s1], $0x80, v4, vm0, $0xb8;
	[tilespmem:$0x10100] =	vst v63  }
0xf1: {  	s26 =	simm.s32 $0x900  }
0xf2: {  	[tilespmem:s26], [sflag:$0x1] =	stream.indirect_vreg.gather [hbm4b:s4+s1], $0x80, v3, vm0, $0xb8;
	[tilespmem:$0x10100] =	vst v63  }
0xf3: {  	v3 =	vld [tilespmem:$0x10];
	_ =	sdelay $0x4  }
0xf4: {  	v57 =	vshll.u32 v3, $0x1  }
0xf5: {  	v3 =	vand.u32 $0x7, v3;
	v4 =	vand.u32 $0xFFFFFFF0, v57  }
0xf6: {  	v3 =	vor.u32 v3, v4  }
0xf7: {  	v4 =	vperm.xlane v3, v0;
	_ =	sdelay $0x1  }
0xf8: {  	v3 =	vperm.xlane v3, v2;
	v4 =	vadd.s32 v1, v4;
	_ =	sdelay $0x1  }
0xf9: {  	v3 =	vadd.s32 v1, v3;
	_ =	sdelay $0x1  }
0xfa: {  	s28 =	simm.s32 $0x1100  }
0xfb: {  	[tilespmem:s28], [sflag:$0x1] =	stream.indirect_vreg.gather [hbm4b:s4+s1], $0x80, v4, vm0, $0xb8;
	[tilespmem:$0x10100] =	vst v63  }
0xfc: {  	s30 =	simm.s32 $0x1900  }
0xfd: {  	[tilespmem:s30], [sflag:$0x1] =	stream.indirect_vreg.gather [hbm4b:s4+s1], $0x80, v3, vm0, $0xb8;
	[tilespmem:$0x10100] =	vst v63  }
0xfe: {  	v3 =	vld [tilespmem:$0x20];
	_ =	sdelay $0x4  }
0xff: {  	v58 =	vshll.u32 v3, $0x1  }
0x100: {  	v3 =	vand.u32 $0x7, v3;
	v4 =	vand.u32 $0xFFFFFFF0, v58  }
0x101: {  	v3 =	vor.u32 v3, v4  }
0x102: {  	v4 =	vperm.xlane v3, v0;
	_ =	sdelay $0x1  }
0x103: {  	v3 =	vperm.xlane v3, v2;
	v4 =	vadd.s32 v1, v4;
	_ =	sdelay $0x1  }
0x104: {  	v3 =	vadd.s32 v1, v3;
	_ =	sdelay $0x1  }
0x105: {  	s26 =	simm.s32 $0x2100  }
0x106: {  	[tilespmem:s26], [sflag:$0x1] =	stream.indirect_vreg.gather [hbm4b:s4+s1], $0x80, v4, vm0, $0xb8;
	[tilespmem:$0x10100] =	vst v63  }
0x107: {  	s28 =	simm.s32 $0x2900  }
0x108: {  	[tilespmem:s28], [sflag:$0x1] =	stream.indirect_vreg.gather [hbm4b:s4+s1], $0x80, v3, vm0, $0xb8;
	[tilespmem:$0x10100] =	vst v63  }
0x109: {  	v3 =	vld [tilespmem:$0x30];
	_ =	sdelay $0x4  }
0x10a: {  	v59 =	vshll.u32 v3, $0x1  }
0x10b: {  	v3 =	vand.u32 $0x7, v3;
	v4 =	vand.u32 $0xFFFFFFF0, v59  }
0x10c: {  	v3 =	vor.u32 v3, v4  }
0x10d: {  	v4 =	vperm.xlane v3, v0;
	_ =	sdelay $0x1  }
0x10e: {  	v3 =	vperm.xlane v3, v2;
	v4 =	vadd.s32 v1, v4;
	_ =	sdelay $0x1  }
0x10f: {  	v3 =	vadd.s32 v1, v3;
	_ =	sdelay $0x1  }
0x110: {  	s30 =	simm.s32 $0x3100  }
0x111: {  	[tilespmem:s30], [sflag:$0x1] =	stream.indirect_vreg.gather [hbm4b:s4+s1], $0x80, v4, vm0, $0xb8;
	[tilespmem:$0x10100] =	vst v63  }
0x112: {  	s26 =	simm.s32 $0x3900  }
0x113: {  	[tilespmem:s26], [sflag:$0x1] =	stream.indirect_vreg.gather [hbm4b:s4+s1], $0x80, v3, vm0, $0xb8;
	[tilespmem:$0x10100] =	vst v63  }
0x114: {  	v3 =	vld [tilespmem:$0x40];
	_ =	sdelay $0x4  }
0x115: {  	v60 =	vshll.u32 v3, $0x1  }
0x116: {  	v3 =	vand.u32 $0x7, v3;
	v4 =	vand.u32 $0xFFFFFFF0, v60  }
0x117: {  	v3 =	vor.u32 v3, v4  }
0x118: {  	v4 =	vperm.xlane v3, v0;
	_ =	sdelay $0x1  }
0x119: {  	v3 =	vperm.xlane v3, v2;
	v4 =	vadd.s32 v1, v4;
	_ =	sdelay $0x1  }
0x11a: {  	v3 =	vadd.s32 v1, v3;
	_ =	sdelay $0x1  }
0x11b: {  	s28 =	simm.s32 $0x4100  }
0x11c: {  	[tilespmem:s28], [sflag:$0x1] =	stream.indirect_vreg.gather [hbm4b:s4+s1], $0x80, v4, vm0, $0xb8;
	[tilespmem:$0x10100] =	vst v63  }
0x11d: {  	s30 =	simm.s32 $0x4900  }
0x11e: {  	[tilespmem:s30], [sflag:$0x1] =	stream.indirect_vreg.gather [hbm4b:s4+s1], $0x80, v3, vm0, $0xb8;
	[tilespmem:$0x10100] =	vst v63  }
0x11f: {  	v3 =	vld [tilespmem:$0x50];
	_ =	sdelay $0x4  }
0x120: {  	v61 =	vshll.u32 v3, $0x1  }
0x121: {  	v3 =	vand.u32 $0x7, v3;
	v4 =	vand.u32 $0xFFFFFFF0, v61  }
0x122: {  	v3 =	vor.u32 v3, v4  }
0x123: {  	v4 =	vperm.xlane v3, v0;
	_ =	sdelay $0x1  }
0x124: {  	v3 =	vperm.xlane v3, v2;
	v4 =	vadd.s32 v1, v4;
	_ =	sdelay $0x1  }
0x125: {  	v3 =	vadd.s32 v1, v3;
	_ =	sdelay $0x1  }
0x126: {  	s26 =	simm.s32 $0x5100  }
0x127: {  	[tilespmem:s26], [sflag:$0x1] =	stream.indirect_vreg.gather [hbm4b:s4+s1], $0x80, v4, vm0, $0xb8;
	[tilespmem:$0x10100] =	vst v63  }
0x128: {  	s28 =	simm.s32 $0x5900  }
0x129: {  	[tilespmem:s28], [sflag:$0x1] =	stream.indirect_vreg.gather [hbm4b:s4+s1], $0x80, v3, vm0, $0xb8;
	[tilespmem:$0x10100] =	vst v63  }
0x12a: {  	v3 =	vld [tilespmem:$0x60];
	_ =	sdelay $0x4  }
0x12b: {  	v62 =	vshll.u32 v3, $0x1  }
0x12c: {  	v3 =	vand.u32 $0x7, v3;
	v4 =	vand.u32 $0xFFFFFFF0, v62  }
0x12d: {  	v3 =	vor.u32 v3, v4  }
0x12e: {  	v4 =	vperm.xlane v3, v0;
	_ =	sdelay $0x1  }
0x12f: {  	v3 =	vperm.xlane v3, v2;
	v4 =	vadd.s32 v1, v4;
	_ =	sdelay $0x1  }
0x130: {  	v3 =	vadd.s32 v1, v3;
	_ =	sdelay $0x1  }
0x131: {  	s30 =	simm.s32 $0x6100  }
0x132: {  	[tilespmem:s30], [sflag:$0x1] =	stream.indirect_vreg.gather [hbm4b:s4+s1], $0x80, v4, vm0, $0xb8;
	[tilespmem:$0x10100] =	vst v63  }
0x133: {  	s26 =	simm.s32 $0x6900  }
0x134: {  	[tilespmem:s26], [sflag:$0x1] =	stream.indirect_vreg.gather [hbm4b:s4+s1], $0x80, v3, vm0, $0xb8;
	[tilespmem:$0x10100] =	vst v63  }
0x135: {  	v3 =	vld [tilespmem:$0x70];
	_ =	sdelay $0x4  }
0x136: {  	v63 =	vshll.u32 v3, $0x1  }
0x137: {  	v3 =	vand.u32 $0x7, v3;
	v4 =	vand.u32 $0xFFFFFFF0, v63  }
0x138: {  	v3 =	vor.u32 v3, v4  }
0x139: {  	v4 =	vperm.xlane v3, v0;
	_ =	sdelay $0x1  }
0x13a: {  	v3 =	vperm.xlane v3, v2;
	v4 =	vadd.s32 v1, v4;
	_ =	sdelay $0x1  }
0x13b: {  	v3 =	vadd.s32 v1, v3  }
.Ltmp5:
0x13c: {  	_ = 	snop;
	(pc) =	sbr.rel .LBB2_4-.Ltmp5, $4  }
0x13d: {  	s28 =	simm.s32 $0x7100  }
0x13e: {  	[tilespmem:s28], [sflag:$0x1] =	stream.indirect_vreg.gather [hbm4b:s4+s1], $0x80, v4, vm0, $0xb8;
	[tilespmem:$0x10100] =	vst v63  }
0x13f: {  	s30 =	simm.s32 $0x7900  }
0x140: {  	[tilespmem:s30], [sflag:$0x1] =	stream.indirect_vreg.gather [hbm4b:s4+s1], $0x80, v3, vm0, $0xb8;
	[tilespmem:$0x10100] =	vst v63  }
.LBB2_6:
0x141: {  	_ =	sfence.sel $0x180000  }
0x142: {  	[bflag:$0x0] =	sbarrier.arrive $0xFFFF  }
0x143: {  	_ =	strace $0x90000047  }
0x144: {  	s0 =	stileid.u32;
	[bflag:$0x2] =	sbarrier.arrive $0xFFFF  }
0x145: {  	p0 =	sne.s32 s0, $0x0;
	s0 =	rddreg [dreg:$0x2]  }
0x146: {  	s0 =	sadd.s32 @!p0 $0x100000, s0  }
0x147: {  	[sflag:s0] =	ssyncadd.tile.s32 @!p0 $0x1;
	_ =	shalt  }
.Lfunc_end2:
_tile_overlayer_lowered:
.L_overlay_start_2:
0x148: {  	(tag) =	ssettag $0x2  }
0x149: {  	s0 =	rddreg [dreg:$0x0];
	s2 =	stileid.u32  }
0x14a: {  	s1 =	rddreg [dreg:$0x1];
	p0 =	sne.s32 s2, $0x0  }
0x14b: {  	s3 =	rddreg [dreg:$0x2];
	[bflag:$0x3] =	sbarrier.arrive $0xFFFF;
	s2 =	simm.s32 @!p0 $0x1C05  }
0x14c: {  	[timem:s3], [sflag:s2] =	dma.local @!p0 [hbm:s0], s1  }
0x14d: {  	s0 =	simm.s32 @!p0 $0x5  }
0x14e: {  	_ =	swait.ge @!p0 [sflag:s0], s1  }
0x14f: {  	s1 =	ssub.s32 @!p0 $0x0, s1;
	[sflag:s0] =	ssyncset.done @!p0 $0x0  }
0x150: {  	[sflag:s0] =	ssyncadd.s32 @!p0 s1  }
0x151: {  	[bflag:$0x3] =	sbarrier.arrive $0xFFFF  }
0x152: {  	_ =	shalt  }

// kernel: sparse-core-data-format-call.cloned.1.call-start
scs
called_computation_lowered:
.L_overlay_start_0:
0x0: {  	s2 =	sld [smem:$0x3FD9]  }
0x1: {  	s3 =	sld [smem:$0x3FFE];
	_ =	sdelay $0x1  }
0x2: {  	s1 =	srdreg.scid  }
0x3: {  	s0 =	sand.u32 $0x1, s1  }
0x4: {  	s18 =	sshll.u32 s0, $0xA;
	s2 =	sadd.s32 s3, s2  }
0x5: {  	s2 =	sadd.s32 s2, s18  }
0x6: {  	[smem:$0x3FC6] =	sst s2  }
0x7: {  	_ = 	snop  }
0x8: {  	s2 =	sld [smem:$0x3FD0];
	(tm) =	ssettm $0x1  }
0x9: {  	s19 =	sld [smem:$0x3FFB];
	_ =	sdelay $0x3  }
0xa: {  	_ =	strace s19  }
0xb: {  	s3 =	sld [smem:$0x3FFC];
	_ =	sdelay $0x3  }
0xc: {  	_ =	strace s3  }
0xd: {  	s3 =	sld [smem:$0x3FFD];
	_ =	sdelay $0x3  }
0xe: {  	_ =	strace s3  }
0xf: {  	_ =	strace $0x8FFFFFFF  }
0x10: {  	s20 =	sld [smem:$0x3FDB];
	_ =	sdelay $0x1  }
0x11: {  	s4 =	simm.s32 $_scs_section_size  }
0x12: {  	s5 =	simm.s32 $_size__tile_overlayer_lowered;
	s6 =	simm.s32 $_tile_overlayer_lowered  }
0x13: {  	s23 =	simm.s32 $0x1BFF;
	s22 =	sshll.u32 s6, $0x1;
	s3 =	sadd.s32 s4, s20  }
0x14: {  	s7 =	simm.s32 $0x0;
	s21 =	sshll.u32 s5, $0x1;
	s5 =	sadd.s32 s22, s3  }
0x15: {  	[timem:s7], [sflag:s23] =	dma.local [hbm:s5], s21  }
0x16: {  	_ =	swait.ge [sflag:s23], s21  }
0x17: {  	s4 =	ssub.s32 $0x0, s21;
	[sflag:s23] =	ssyncset.done $0x0  }
0x18: {  	[sflag:s23] =	ssyncadd.s32 s4;
	_ =	sdelay $0x1  }
0x19: {  	s24 =	simm.s32 $0x1B8B  }
0x1a: {  	_ =	swait.ge [sflag:s24], $0x1  }
0x1b: {  	[sflag:s24] =	ssyncset.done $0x0  }
0x1c: {  	s26 =	simm.s32 $0x1B8E;
	s25 =	sld [smem:$0x3FFE];
	[sflag:s24] =	ssyncadd.s32 $0xFFFFFFFF  }
0x1d: {  	s27 =	simm.s32 $execute0_lowered;
	[smem:$0x3FD2] =	sst s26  }
0x1e: {  	s5 =	sshll.u32 s27, $0x1;
	_ =	strace $0x80000049;
	[dreg:$0x1] =	wrdreg $0xFFFFFFFF  }
0x1f: {  	s28 =	simm.s32 $_size_execute0_lowered;
	s3 =	sadd.s32 s3, s5;
	[dreg:$0x0] =	wrdreg $0x0  }
0x20: {  	s5 =	sshll.u32 s28, $0x1;
	[dreg:$0x2] =	wrdreg s3  }
0x21: {  	[dreg:$0x3] =	wrdreg s5  }
0x22: {  	[dreg:$0x4] =	wrdreg $0xC0  }
0x23: {  	_ =	task [dreg:s7], $0x5FFFF  }
0x24: {  	[dreg:$0x1] =	wrdreg $0xFFFFFFFF  }
0x25: {  	[dreg:$0x0] =	wrdreg $0x60  }
0x26: {  	[dreg:$0x2] =	wrdreg s25  }
0x27: {  	[dreg:$0x3] =	wrdreg s2  }
0x28: {  	[dreg:$0x4] =	wrdreg $0x9  }
0x29: {  	_ =	task.clear_ibuf [dreg:s7], $0x5FFFF;
	_ =	strace $0x90000049  }
0x2a: {  	s29 =	simm.s32 $0x9;
	_ =	strace $0x8000004B  }
0x2b: {  	_ =	swait.ge [sflag:s29], $0x1  }
0x2c: {  	[sflag:s29] =	ssyncadd.s32 $0xFFFFFFFF  }
0x2d: {  	_ =	strace $0x9000004B  }
0x2e: {  	_ =	sfence  }
0x2f: {  	s30 =	sld [smem:$0x0];
	_ =	sdelay $0x2  }
0x30: {  	s31 =	sshll.u32 s1, $0xD;
	s1 =	sshrl.u32 s1, $0x2  }
0x31: {  	s3 =	sand.u32 $0x4000, s31;
	s1 =	sadd.s32 s1, s30  }
0x32: {  	s0 =	sor.u32 s3, s0;
	s1 =	sshll.u32 s1, $0x11  }
0x33: {  	s0 =	sor.u32 s1, s0  }
0x34: {  	s0 =	sadd.s32 $0x8F2B, s0  }
0x35: {  	[sflag:s0] =	ssyncadd.remote.s32 $0x1  }
0x36: {  	_ =	sfence.sel $0xFFFF  }
0x37: {  	[dreg:$0x0] =	wrdreg $0xFFFFFFFF;
	(pc) =	sbr.abs _section_cstart, $3  }
0x38: {  	[dreg:$0x1] =	wrdreg $0xFFFFFFFF  }
0x39: {  	_ =	task.clear_ibuf [dreg:s7], $0x2FFFF;
	_ =	strace $0x9FFFFFFF  }
0x3a: {  	(tm) =	ssettm $0x7FFFFFFF  }
0x3b: {  	_ =	shalt  }
tec
execute0_lowered:
.L_overlay_start_1:
0x0: {  	(tag) =	ssettag $0x1  }
0x1: {  	s0 =	srdreg.scid  }
0x2: {  	s1 =	sshll.u32 s0, $0x4  }
0x3: {  	s0 =	stileid.u32;
	s1 =	sand.u32 $0x10, s1  }
0x4: {  	s1 =	sor.u32 s0, s1  }
0x5: {  	s6 =	rddreg [dreg:$0x0];
	s4 =	simm.s32 $0x1;
	s2 =	sshll.u32 s1, $0x7  }
0x6: {  	s7 =	simm.s32 $0x2;
	s12 =	simm.s32 $0x0;
	s1 =	ssub.s32 $0x4000, s2  }
0x7: {  	s8 =	simm.s32 $0x20000;
	s13 =	simm.s32 $0x0;
	s3 =	sand.u32 $0xF80, s1  }
0x8: {  	s9 =	simm.s32 $0x0;
	s5 =	sshrl.u32 s1, $0xC;
	p0 =	sne.s32 s3, $0x0  }
.Ltmp0:
0x9: {  	s1 =	rddreg [dreg:$0x2];
	s4 =	simm.s32 @!p0 $0x0;
	(pc) =	sbr.rel .LBB1_1-.Ltmp0, $4  }
0xa: {  	s11 =	simm.s32 $0x0;
	s3 =	rddreg [dreg:$0x1];
	s5 =	sadd.s32 s4, s5  }
0xb: {  	_ =	strace $0x8000004A;
	s4 =	simm.s32 $0x1;
	s5 =	smul.u32 $0xC8, s5  }
0xc: {  	s6 =	sadd.s32 $0xC00, s6;
	s10 =	smov.u32 s2;
	[sflag:s4] =	ssyncpa.u1 $0x0  }
0xd: {  	p0 =	por $0x0, $0x0;
	[sflag:s7] =	ssyncpa.u1 $0x0;
	s7 =	sor.u32 $0x1, s5  }
.LBB1_4:
0xe: {  	s16 =	sshll.u32 s13, $0x3;
	s17 =	sand.u32 $0x78, s13  }
0xf: {  	s30 =	sand.u32 $0x1F800, s13;
	s12 =	sshll.u32 s12, $0x11;
	s16 =	sand.u32 $0x3C00, s16  }
0x10: {  	[tilespmem:s15+$0x810 ss:$0x81] =	vst.msk $0xffff, v2;
	s31 =	sand.u32 $0x7, s13;
	s16 =	sor.u32 s17, s16;
	s17 =	sadd.s32 s3, s30  }
0x11: {  	[tilespmem:s15+$0x1020 ss:$0x81] =	vst.msk $0xffff, v0;
	s13 =	sshll.u32 s31, $0x12;
	s12 =	sadd.s32 s12, s17;
	s16 =	sshrl.u32 s16, $0x3  }
0x12: {  	[tilespmem:s15+$0x0 ss:$0x81] =	vst.msk $0xffff, v1;
	s13 =	sor.u32 $0x400, s13;
	s12 =	sadd.s32 s16, s12  }
0x13: {  	[hbm4b:s12+s13] =	stream.strided.scatter [tilespmem:s14], [sflag:$0x2], $0x2000, s8, s13, $0x20;
	[tilespmem:$0x8080] =	vst v63  }
.LBB1_5:
0x14: {  	s14 =	sadd.s32 $0x1, s9  }
0x15: {  	s12 =	sadd.s32 $0x1000, s10;
	s16 =	smov.u32 s10;
	p2 =	sgt.s32 s14, $0xC7  }
0x16: {  	s16 =	smov.u32 @p2 s12  }
0x17: {  	s14 =	simm.s32 @p2 $0x0;
	p2 =	sgt.s32 s16, $0x3FFF  }
0x18: {  	s16 =	smov.u32 @p2 s2;
	p2 =	sne.s32 s11, s7  }
.Ltmp1:
0x19: {  	p1 =	slt.u32 s11, $0x2;
	(pc) =	sbr.rel @!p2 .LBB1_6-.Ltmp1, $4  }
0x1a: {  	s15 =	simm.s32 @!p1 $0x2  }
0x1b: {  	s13 =	smov.u32 s10;
	p0 =	por !p0, !p0;
	_ =	swait.ge @!p1 [sflag:s15], $0x2000  }
0x1c: {  	s12 =	smov.u32 s9;
	[sflag:s15] =	ssyncset.done @!p1 $0x0;
	s9 =	smov.u32 s14  }
0x1d: {  	s11 =	sadd.s32 $0x1, s11;
	[sflag:s15] =	ssyncadd.s32 @!p1 $0xFFFFE000;
	s10 =	smov.u32 s16  }
.LBB1_1:
0x1e: {  	p1 =	sge.u32 s11, s5  }
0x1f: {  	s14 =	sand.u32 @!p1 $0x1FFFFFF, s9  }
0x20: {  	s15 =	smulhi.u32 @!p1 $0x147AE15, s14;
	_ =	sdelay $0x1  }
0x21: {  	s15 =	smul.u32 @!p1 $0xC8, s15  }
0x22: {  	s16 =	sxor.u32 @!p1 $0xFFFFFFFF, s11;
	s17 =	smul.u32 @!p1 $0xC80, s10  }
0x23: {  	s31 =	sadd.s32 $0xFFFFFFFF, s11;
	s16 =	sshll.u32 @!p1 s16, $0xD;
	s14 =	ssub.s32 @!p1 s14, s15  }
0x24: {  	s15 =	sand.u32 @!p1 $0x2000, s16;
	s16 =	sadd.s32 @!p1 s6, s17;
	s14 =	sshll.u32 @!p1 s14, $0x4  }
0x25: {  	s17 =	simm.s32 @!p1 $0x6400;
	s14 =	sadd.s32 @!p1 s14, s16;
	s16 =	simm.s32 @!p1 $0x40  }
0x26: {  	[tilespmem:s15], [sflag:$0x1] =	stream.strided.gather @!p1 [hbm4b:s14+s16], $0x2000, s17, s16, $0x38;
	[tilespmem:$0x8080] =	vst v63  }
0x27: {  	p1 =	sge.u32 s31, s5  }
.Ltmp2:
0x28: {  	_ = 	snop;
	(pc) =	sbr.rel @p1 .LBB1_5-.Ltmp2, $1  }
0x29: {  	_ =	sdelay $0x3  }
0x2a: {  	s14 =	simm.s32 $0x1  }
0x2b: {  	_ =	swait.ge [sflag:s4], $0x2000;
	s14 =	simm.s32 @!p0 $0x0  }
0x2c: {  	[sflag:s4] =	ssyncset.done $0x0;
	s15 =	sshll.u32 s14, $0xD  }
0x2d: {  	[sflag:s4] =	ssyncadd.s32 $0xFFFFE000;
	s18 =	sor.u32 $0x20, s15  }
0x2e: {  	s14 =	smul.u32 $0x8100, s14;
	v3 =	vld [tilespmem:s18+$0x10]  }
0x2f: {  	s30 =	sand.u32 $0x1, s11;
	v2 =	vld [tilespmem:s18+$0xFFFFFFF0]  }
0x30: {  	s15 =	smul.u32 $0x8100, s30;
	s14 =	sshrl.u32 s14, $0x2;
	v0 =	vld [tilespmem:s18+$0x0]  }
0x31: {  	v1 =	vld [tilespmem:s18+$0xFFFFFFE0];
	s16 =	sor.u32 $0x4000, s14  }
0x32: {  	s31 =	sshrl.u32 s15, $0x2;
	s15 =	sadd.s32 $0x0, s16  }
0x33: {  	s17 =	simm.s32 $0x4;
	s18 =	sadd.s32 $0x40, s18;
	s14 =	sor.u32 $0x4000, s31;
	[tilespmem:s15+$0x1830 ss:$0x81] =	vst.msk $0xffff, v3  }
.LBB1_3:
0x34: {  	v3 =	vld [tilespmem:s18+$0x10];
	p1 =	sne.s32 s17, $0x1FC;
	[tilespmem:s15+$0x810 ss:$0x81] =	vst.msk $0xffff, v2;
	s19 =	smov.u32 s17;
	s17 =	sadd.s32 $0x4, s17  }
.Ltmp3:
0x35: {  	v2 =	vld [tilespmem:s18+$0xFFFFFFF0];
	[tilespmem:s15+$0x1020 ss:$0x81] =	vst.msk $0xffff, v0;
	(pc) =	sbr.rel @p1 .LBB1_3-.Ltmp3, $4  }
0x36: {  	v0 =	vld [tilespmem:s18+$0x0];
	[tilespmem:s15+$0x0 ss:$0x81] =	vst.msk $0xffff, v1  }
0x37: {  	s15 =	sshra.s32 s19, $0x2;
	v1 =	vld [tilespmem:s18+$0xFFFFFFE0]  }
0x38: {  	s15 =	sadd.s32 s15, s16  }
0x39: {  	s18 =	sadd.s32 $0x40, s18;
	[tilespmem:s15+$0x1830 ss:$0x81] =	vst.msk $0xffff, v3  }
.Ltmp4:
0x3a: {  	_ = 	snop;
	(pc) =	sbr.rel .LBB1_4-.Ltmp4, $1  }
0x3b: {  	_ =	sdelay $0x3  }
.LBB1_6:
0x3c: {  	_ =	sfence.sel $0x180000  }
0x3d: {  	s2 =	simm.s32 $0x1;
	[bflag:$0x0] =	sbarrier.arrive $0xFFFF  }
0x3e: {  	s31 =	simm.s32 $0x2;
	[sflag:s2] =	ssyncpa.u1 $0x1  }
0x3f: {  	[sflag:s31] =	ssyncpa.u1 $0x1  }
0x40: {  	p0 =	sne.s32 s0, $0x0;
	_ =	strace $0x9000004A  }
0x41: {  	s0 =	sadd.s32 @!p0 $0x100000, s1;
	[bflag:$0x2] =	sbarrier.arrive $0xFFFF  }
0x42: {  	[sflag:s0] =	ssyncadd.tile.s32 @!p0 $0x1;
	_ =	shalt  }
.Lfunc_end1:
_tile_overlayer_lowered:
.L_overlay_start_2:
0x43: {  	(tag) =	ssettag $0x2  }
0x44: {  	s0 =	rddreg [dreg:$0x0];
	s2 =	stileid.u32  }
0x45: {  	s1 =	rddreg [dreg:$0x1];
	p0 =	sne.s32 s2, $0x0  }
0x46: {  	s3 =	rddreg [dreg:$0x2];
	[bflag:$0x3] =	sbarrier.arrive $0xFFFF;
	s2 =	simm.s32 @!p0 $0x1C01  }
0x47: {  	[timem:s3], [sflag:s2] =	dma.local @!p0 [hbm:s0], s1  }
0x48: {  	s0 =	simm.s32 @!p0 $0x1  }
0x49: {  	_ =	swait.ge @!p0 [sflag:s0], s1  }
0x4a: {  	s1 =	ssub.s32 @!p0 $0x0, s1;
	[sflag:s0] =	ssyncset.done @!p0 $0x0  }
0x4b: {  	[sflag:s0] =	ssyncadd.s32 @!p0 s1  }
0x4c: {  	[bflag:$0x3] =	sbarrier.arrive $0xFFFF  }
0x4d: {  	_ =	shalt  }

</sc_bundles>
